<compile_context>
chip_gen: v7x
topology: tpu7x:2x2x1
jax: 0.10.2.dev20260603
libtpu: 0.0.44.dev20260713+nightly
codegen_flags: <defaults>
</compile_context>

<pallas_src>
import functools

import jax
import jax.numpy as jnp
from jax import lax
from jax.experimental import pallas as pl
from jax.experimental.pallas import tpu as pltpu
from jax.experimental.pallas import tpu_sc as plsc

_L = 16


@functools.partial(jax.jit, static_argnums=(2,))
def _logits_indices_sc(cu, qsl, n):
    m = cu.shape[0]
    npad = ((m + _L - 1) // _L) * _L
    nt = n // _L
    steps = []
    w = 1
    while w * 2 <= m:
        w *= 2
    while w >= 1:
        steps.append(w)
        w //= 2
    mesh = plsc.VectorSubcoreMesh(core_axis_name="c", subcore_axis_name="s",
                                  num_cores=1, num_subcores=1)

    @functools.partial(
        pl.kernel,
        out_type=jax.ShapeDtypeStruct((n,), jnp.int32),
        mesh=mesh,
        compiler_params=pltpu.CompilerParams(needs_layout_passes=False),
        scratch_types=[
            pltpu.VMEM((npad,), jnp.int32),
            pltpu.VMEM((npad,), jnp.int32),
            pltpu.VMEM((n,), jnp.int32),
            pltpu.SemaphoreType.DMA,
        ],
    )
    def k(cu_hbm, qsl_hbm, out_hbm, cu_v, qsl_v, out_v, sem):
        c1 = pltpu.make_async_copy(cu_hbm, cu_v.at[pl.ds(0, m)], sem)
        c2 = pltpu.make_async_copy(qsl_hbm, qsl_v.at[pl.ds(0, m)], sem)
        c1.start()
        c2.start()
        c1.wait()
        c2.wait()
        lanes = lax.iota(jnp.int32, _L)
        for t in range(npad // _L):
            sl = pl.ds(t * _L, _L)
            qsl_v[sl] = qsl_v[sl] - cu_v[sl]
        for t in range(nt):
            iv = lanes + (t * _L)
            b = jnp.zeros((_L,), jnp.int32)
            for w in steps:
                cand = b + w
                probe = jnp.minimum(cand - 1, m - 1)
                val = plsc.load_gather(cu_v, [probe])
                ok = jnp.logical_and(cand <= m, val <= iv)
                b = jnp.where(ok, cand, b)
            bg = jnp.minimum(b, n)
            wb = plsc.load_gather(qsl_v, [bg])
            out_v[pl.ds(t * _L, _L)] = iv + wb
        pltpu.sync_copy(out_v, out_hbm)

    return k(cu, qsl)


def kernel(input_ids, idx_mapping, last_sampled_tokens, query_start_loc,
           seq_lens, prefill_len, draft_tokens, cu_num_logits, num_logits):
    n = cu_num_logits.shape[0] - 1
    return _logits_indices_sc(cu_num_logits.astype(jnp.int32),
                              query_start_loc.astype(jnp.int32), n)

# --- scband reference (transcript-rebuilt; emitter-appended) ---
"""Pipeline reference for scband-model-70471823392989 (READ-ONLY COPY).

The authoritative reference and input builder live on the scoring server;
editing this copy changes nothing except your own understanding.
"""

import jax, jax.numpy as jnp
import numpy as np


def setup_inputs(seed: int = 0) -> dict:
    key = jax.random.key(seed)
    ks = jax.random.split(key, 6)
    num_reqs = 128
    max_num_reqs = 256
    spec_steps = 5
    vocab = 32000
    input_ids = jax.random.randint(ks[0], (num_reqs,), 0, vocab, dtype=jnp.int32)
    idx_mapping = jnp.arange(num_reqs, dtype=jnp.int32)
    last_sampled_tokens = jax.random.randint(ks[1], (max_num_reqs,), 0, vocab, dtype=jnp.int32)
    query_start_loc = jnp.arange(num_reqs + 1, dtype=jnp.int32)
    seq_lens = jax.random.randint(ks[2], (num_reqs,), 0, 8192, dtype=jnp.int32)
    prefill_len = jax.random.randint(ks[3], (max_num_reqs,), 0, 8192, dtype=jnp.int32)
    draft_tokens = jax.random.randint(ks[4], (max_num_reqs, spec_steps), 0, vocab, dtype=jnp.int32)
    cu_num_logits = jnp.arange(num_reqs + 1, dtype=jnp.int32)
    return {
        "input_ids": input_ids,
        "idx_mapping": idx_mapping,
        "last_sampled_tokens": last_sampled_tokens,
        "query_start_loc": query_start_loc,
        "seq_lens": seq_lens,
        "prefill_len": prefill_len,
        "draft_tokens": draft_tokens,
        "cu_num_logits": cu_num_logits,
        "num_logits": 128,
    }


def reference(input_ids, idx_mapping, last_sampled_tokens, query_start_loc, seq_lens, prefill_len, draft_tokens, cu_num_logits, num_logits):
    # --- logits_indices computation (per-logit flat form of the per-request kernel loop) ---
    n = cu_num_logits.shape[0] - 1
    i = jnp.arange(n, dtype=jnp.int32) + jnp.asarray(num_logits, dtype=jnp.int32) * 0
    # request owning logit i
    b = jnp.searchsorted(cu_num_logits, i, side='right') - 1
    nl_i = cu_num_logits[b + 1] - cu_num_logits[b]
    offset = i - cu_num_logits[b]
    logits_start = query_start_loc[b + 1] - nl_i
    logits_indices = logits_start + offset

    # --- input_ids in-place update semantics (last sampled token + draft tokens) ---
    nl = cu_num_logits[1:] - cu_num_logits[:-1]
    nd = nl - 1
    qe = query_start_loc[1:]
    req = idx_mapping
    cond = seq_lens > prefill_len[req]  # kernel early-returns when seq_len <= prefill_len
    num_tokens = input_ids.shape[0]
    # extended buffer: invalid writes are redirected to the dummy last slot
    ext = jnp.concatenate([input_ids, jnp.zeros((1,), input_ids.dtype)])
    last_pos = jnp.where(cond, qe - nl, num_tokens)
    ext = ext.at[last_pos].set(last_sampled_tokens[req])
    spec = draft_tokens.shape[1]
    j = jnp.arange(spec, dtype=jnp.int32)
    valid = (j[None, :] < nd[:, None]) & cond[:, None]
    dpos = jnp.where(valid, (qe - nd)[:, None] + j[None, :], num_tokens)
    ext = ext.at[dpos].set(draft_tokens[req])
    updated_input_ids = ext[:num_tokens]  # side-effect buffer; torch forward returns only logits_indices
    del updated_input_ids
    return logits_indices

if __name__ == "__main__":
    import jax
    _d = setup_inputs()
    print(jax.jit(kernel)(*tuple(_d.values())))

</pallas_src>

<mosaic_0001>
#map = affine_map<(d0, d1) -> (0)>
module attributes {stable_mosaic.version = 14 : i64} {
  func.func @k(%arg0: i32, %arg1: i32, %arg2: memref<129xi32, #tpu.memory_space<hbm>>, %arg3: memref<129xi32, #tpu.memory_space<hbm>>, %arg4: memref<128xi32, #tpu.memory_space<hbm>>, %arg5: memref<144xi32, #tpu.memory_space<vmem>>, %arg6: memref<144xi32, #tpu.memory_space<vmem>>, %arg7: memref<128xi32, #tpu.memory_space<vmem>>, %arg8: memref<!tpu.dma_semaphore, #tpu.memory_space<semaphore_mem>>) attributes {dimension_semantics = [#tpu.dimension_semantics<core_parallel>, #tpu.dimension_semantics<subcore_parallel>], iteration_bounds = array<i64: 1, 1>, scalar_prefetch = 0 : i64, scratch_operands = 4 : i64, tpu.core_type = #tpu.core_type<sc_vector_subcore>, window_params = [{transform_indices = #map}, {transform_indices = #map}, {transform_indices = #map}]} {
    %dma_start3A = arith.constant 0 : i32
    %dma_start3A_0 = tpu.memref_slice %arg5[%dma_start3A] : memref<144xi32, #tpu.memory_space<vmem>> -> memref<129xi32, #tpu.memory_space<vmem>>
    %dma_start3A_1 = arith.constant 0 : i32
    %dma_start3A_2 = tpu.memref_slice %arg5[%dma_start3A_1] : memref<144xi32, #tpu.memory_space<vmem>> -> memref<129xi32, #tpu.memory_space<vmem>>
    tpu.enqueue_dma source(%arg2 : memref<129xi32, #tpu.memory_space<hbm>>) target(%dma_start3A_2 : memref<129xi32, #tpu.memory_space<vmem>>) target_semaphore(%arg8 : memref<!tpu.dma_semaphore, #tpu.memory_space<semaphore_mem>>)
    %dma_start3A_3 = arith.constant 0 : i32
    %dma_start3A_4 = tpu.memref_slice %arg6[%dma_start3A_3] : memref<144xi32, #tpu.memory_space<vmem>> -> memref<129xi32, #tpu.memory_space<vmem>>
    %dma_start3A_5 = arith.constant 0 : i32
    %dma_start3A_6 = tpu.memref_slice %arg6[%dma_start3A_5] : memref<144xi32, #tpu.memory_space<vmem>> -> memref<129xi32, #tpu.memory_space<vmem>>
    tpu.enqueue_dma source(%arg3 : memref<129xi32, #tpu.memory_space<hbm>>) target(%dma_start3A_6 : memref<129xi32, #tpu.memory_space<vmem>>) target_semaphore(%arg8 : memref<!tpu.dma_semaphore, #tpu.memory_space<semaphore_mem>>)
    %dma_wait3A = arith.constant 0 : i32
    %dma_wait3A_7 = tpu.memref_slice %arg5[%dma_wait3A] : memref<144xi32, #tpu.memory_space<vmem>> -> memref<129xi32, #tpu.memory_space<vmem>>
    %dma_wait3A_8 = arith.constant 0 : i32
    %dma_wait3A_9 = tpu.memref_slice %arg5[%dma_wait3A_8] : memref<144xi32, #tpu.memory_space<vmem>> -> memref<129xi32, #tpu.memory_space<vmem>>
    tpu.wait_dma2 semaphore(%arg8 : memref<!tpu.dma_semaphore, #tpu.memory_space<semaphore_mem>>) src(%arg2 : memref<129xi32, #tpu.memory_space<hbm>>) dst(%dma_wait3A_9 : memref<129xi32, #tpu.memory_space<vmem>>)
    %dma_wait3A_10 = arith.constant 0 : i32
    %dma_wait3A_11 = tpu.memref_slice %arg6[%dma_wait3A_10] : memref<144xi32, #tpu.memory_space<vmem>> -> memref<129xi32, #tpu.memory_space<vmem>>
    %dma_wait3A_12 = arith.constant 0 : i32
    %dma_wait3A_13 = tpu.memref_slice %arg6[%dma_wait3A_12] : memref<144xi32, #tpu.memory_space<vmem>> -> memref<129xi32, #tpu.memory_space<vmem>>
    tpu.wait_dma2 semaphore(%arg8 : memref<!tpu.dma_semaphore, #tpu.memory_space<semaphore_mem>>) src(%arg3 : memref<129xi32, #tpu.memory_space<hbm>>) dst(%dma_wait3A_13 : memref<129xi32, #tpu.memory_space<vmem>>)
    %iota3A = tpu.iota {dimensions = array<i32: 0>} : vector<16xi32>
    %get3A = arith.constant 0 : index
    %get3A_14 = tpu.vector_load %arg6[%get3A] {strides = array<i32>} : memref<144xi32, #tpu.memory_space<vmem>>, vector<16xi32>,
    %get3A_15 = arith.constant 0 : index
    %get3A_16 = tpu.vector_load %arg5[%get3A_15] {strides = array<i32>} : memref<144xi32, #tpu.memory_space<vmem>>, vector<16xi32>,
    %sub3A = arith.subi %get3A_14, %get3A_16 : vector<16xi32>
    %swap3A = arith.constant 0 : index
    %swap3A_17 = tpu.vector_load %arg6[%swap3A] {strides = array<i32>} : memref<144xi32, #tpu.memory_space<vmem>>, vector<16xi32>,
    tpu.vector_store %arg6[%swap3A], %sub3A {strides = array<i32>} : memref<144xi32, #tpu.memory_space<vmem>>, vector<16xi32>,
    %get3A_18 = arith.constant 16 : index
    %get3A_19 = tpu.vector_load %arg6[%get3A_18] {strides = array<i32>} : memref<144xi32, #tpu.memory_space<vmem>>, vector<16xi32>,
    %get3A_20 = arith.constant 16 : index
    %get3A_21 = tpu.vector_load %arg5[%get3A_20] {strides = array<i32>} : memref<144xi32, #tpu.memory_space<vmem>>, vector<16xi32>,
    %sub3A_22 = arith.subi %get3A_19, %get3A_21 : vector<16xi32>
    %swap3A_23 = arith.constant 16 : index
    %swap3A_24 = tpu.vector_load %arg6[%swap3A_23] {strides = array<i32>} : memref<144xi32, #tpu.memory_space<vmem>>, vector<16xi32>,
    tpu.vector_store %arg6[%swap3A_23], %sub3A_22 {strides = array<i32>} : memref<144xi32, #tpu.memory_space<vmem>>, vector<16xi32>,
    %get3A_25 = arith.constant 32 : index
    %get3A_26 = tpu.vector_load %arg6[%get3A_25] {strides = array<i32>} : memref<144xi32, #tpu.memory_space<vmem>>, vector<16xi32>,
    %get3A_27 = arith.constant 32 : index
    %get3A_28 = tpu.vector_load %arg5[%get3A_27] {strides = array<i32>} : memref<144xi32, #tpu.memory_space<vmem>>, vector<16xi32>,
    %sub3A_29 = arith.subi %get3A_26, %get3A_28 : vector<16xi32>
    %swap3A_30 = arith.constant 32 : index
    %swap3A_31 = tpu.vector_load %arg6[%swap3A_30] {strides = array<i32>} : memref<144xi32, #tpu.memory_space<vmem>>, vector<16xi32>,
    tpu.vector_store %arg6[%swap3A_30], %sub3A_29 {strides = array<i32>} : memref<144xi32, #tpu.memory_space<vmem>>, vector<16xi32>,
    %get3A_32 = arith.constant 48 : index
    %get3A_33 = tpu.vector_load %arg6[%get3A_32] {strides = array<i32>} : memref<144xi32, #tpu.memory_space<vmem>>, vector<16xi32>,
    %get3A_34 = arith.constant 48 : index
    %get3A_35 = tpu.vector_load %arg5[%get3A_34] {strides = array<i32>} : memref<144xi32, #tpu.memory_space<vmem>>, vector<16xi32>,
    %sub3A_36 = arith.subi %get3A_33, %get3A_35 : vector<16xi32>
    %swap3A_37 = arith.constant 48 : index
    %swap3A_38 = tpu.vector_load %arg6[%swap3A_37] {strides = array<i32>} : memref<144xi32, #tpu.memory_space<vmem>>, vector<16xi32>,
    tpu.vector_store %arg6[%swap3A_37], %sub3A_36 {strides = array<i32>} : memref<144xi32, #tpu.memory_space<vmem>>, vector<16xi32>,
    %get3A_39 = arith.constant 64 : index
    %get3A_40 = tpu.vector_load %arg6[%get3A_39] {strides = array<i32>} : memref<144xi32, #tpu.memory_space<vmem>>, vector<16xi32>,
    %get3A_41 = arith.constant 64 : index
    %get3A_42 = tpu.vector_load %arg5[%get3A_41] {strides = array<i32>} : memref<144xi32, #tpu.memory_space<vmem>>, vector<16xi32>,
    %sub3A_43 = arith.subi %get3A_40, %get3A_42 : vector<16xi32>
    %swap3A_44 = arith.constant 64 : index
    %swap3A_45 = tpu.vector_load %arg6[%swap3A_44] {strides = array<i32>} : memref<144xi32, #tpu.memory_space<vmem>>, vector<16xi32>,
    tpu.vector_store %arg6[%swap3A_44], %sub3A_43 {strides = array<i32>} : memref<144xi32, #tpu.memory_space<vmem>>, vector<16xi32>,
    %get3A_46 = arith.constant 80 : index
    %get3A_47 = tpu.vector_load %arg6[%get3A_46] {strides = array<i32>} : memref<144xi32, #tpu.memory_space<vmem>>, vector<16xi32>,
    %get3A_48 = arith.constant 80 : index
    %get3A_49 = tpu.vector_load %arg5[%get3A_48] {strides = array<i32>} : memref<144xi32, #tpu.memory_space<vmem>>, vector<16xi32>,
    %sub3A_50 = arith.subi %get3A_47, %get3A_49 : vector<16xi32>
    %swap3A_51 = arith.constant 80 : index
    %swap3A_52 = tpu.vector_load %arg6[%swap3A_51] {strides = array<i32>} : memref<144xi32, #tpu.memory_space<vmem>>, vector<16xi32>,
    tpu.vector_store %arg6[%swap3A_51], %sub3A_50 {strides = array<i32>} : memref<144xi32, #tpu.memory_space<vmem>>, vector<16xi32>,
    %get3A_53 = arith.constant 96 : index
    %get3A_54 = tpu.vector_load %arg6[%get3A_53] {strides = array<i32>} : memref<144xi32, #tpu.memory_space<vmem>>, vector<16xi32>,
    %get3A_55 = arith.constant 96 : index
    %get3A_56 = tpu.vector_load %arg5[%get3A_55] {strides = array<i32>} : memref<144xi32, #tpu.memory_space<vmem>>, vector<16xi32>,
    %sub3A_57 = arith.subi %get3A_54, %get3A_56 : vector<16xi32>
    %swap3A_58 = arith.constant 96 : index
    %swap3A_59 = tpu.vector_load %arg6[%swap3A_58] {strides = array<i32>} : memref<144xi32, #tpu.memory_space<vmem>>, vector<16xi32>,
    tpu.vector_store %arg6[%swap3A_58], %sub3A_57 {strides = array<i32>} : memref<144xi32, #tpu.memory_space<vmem>>, vector<16xi32>,
    %get3A_60 = arith.constant 112 : index
    %get3A_61 = tpu.vector_load %arg6[%get3A_60] {strides = array<i32>} : memref<144xi32, #tpu.memory_space<vmem>>, vector<16xi32>,
    %get3A_62 = arith.constant 112 : index
    %get3A_63 = tpu.vector_load %arg5[%get3A_62] {strides = array<i32>} : memref<144xi32, #tpu.memory_space<vmem>>, vector<16xi32>,
    %sub3A_64 = arith.subi %get3A_61, %get3A_63 : vector<16xi32>
    %swap3A_65 = arith.constant 112 : index
    %swap3A_66 = tpu.vector_load %arg6[%swap3A_65] {strides = array<i32>} : memref<144xi32, #tpu.memory_space<vmem>>, vector<16xi32>,
    tpu.vector_store %arg6[%swap3A_65], %sub3A_64 {strides = array<i32>} : memref<144xi32, #tpu.memory_space<vmem>>, vector<16xi32>,
    %get3A_67 = arith.constant 128 : index
    %get3A_68 = tpu.vector_load %arg6[%get3A_67] {strides = array<i32>} : memref<144xi32, #tpu.memory_space<vmem>>, vector<16xi32>,
    %get3A_69 = arith.constant 128 : index
    %get3A_70 = tpu.vector_load %arg5[%get3A_69] {strides = array<i32>} : memref<144xi32, #tpu.memory_space<vmem>>, vector<16xi32>,
    %sub3A_71 = arith.subi %get3A_68, %get3A_70 : vector<16xi32>
    %swap3A_72 = arith.constant 128 : index
    %swap3A_73 = tpu.vector_load %arg6[%swap3A_72] {strides = array<i32>} : memref<144xi32, #tpu.memory_space<vmem>>, vector<16xi32>,
    tpu.vector_store %arg6[%swap3A_72], %sub3A_71 {strides = array<i32>} : memref<144xi32, #tpu.memory_space<vmem>>, vector<16xi32>,
    %add3A = arith.constant 0 : i32
    %add3A_74 = vector.broadcast %add3A : i32 to vector<16xi32>
    %add3A_75 = arith.addi %iota3A, %add3A_74 : vector<16xi32>
    %broadcast_in_dim3A = arith.constant 0 : i32
    %broadcast_in_dim3A_76 = vector.broadcast %broadcast_in_dim3A : i32 to vector<16xi32>
    %add3A_77 = arith.constant 128 : i32
    %add3A_78 = vector.broadcast %add3A_77 : i32 to vector<16xi32>
    %add3A_79 = arith.addi %broadcast_in_dim3A_76, %add3A_78 : vector<16xi32>
    %sub3A_80 = arith.constant 1 : i32
    %sub3A_81 = vector.broadcast %sub3A_80 : i32 to vector<16xi32>
    %sub3A_82 = arith.subi %add3A_79, %sub3A_81 : vector<16xi32>
    %min3A = arith.constant 128 : i32
    %min3A_83 = vector.broadcast %min3A : i32 to vector<16xi32>
    %min3A_84 = arith.minsi %sub3A_82, %min3A_83 : vector<16xi32>
    %gather3A = tpu.vector_load_idx %arg5[%min3A_84] : memref<144xi32, #tpu.memory_space<vmem>>[vector<16xi32>], vector<16xi32>,
    %le3A = arith.constant 129 : i32
    %le3A_85 = vector.broadcast %le3A : i32 to vector<16xi32>
    %le3A_86 = arith.cmpi sle, %add3A_79, %le3A_85 : vector<16xi32>
    %le3A_87 = arith.cmpi sle, %gather3A, %add3A_75 : vector<16xi32>
    %and3A = arith.andi %le3A_86, %le3A_87 : vector<16xi1>
    %select_n3A = arith.select %and3A, %add3A_79, %broadcast_in_dim3A_76 : vector<16xi1>, vector<16xi32>
    %add3A_88 = arith.constant 64 : i32
    %add3A_89 = vector.broadcast %add3A_88 : i32 to vector<16xi32>
    %add3A_90 = arith.addi %select_n3A, %add3A_89 : vector<16xi32>
    %sub3A_91 = arith.constant 1 : i32
    %sub3A_92 = vector.broadcast %sub3A_91 : i32 to vector<16xi32>
    %sub3A_93 = arith.subi %add3A_90, %sub3A_92 : vector<16xi32>
    %min3A_94 = arith.constant 128 : i32
    %min3A_95 = vector.broadcast %min3A_94 : i32 to vector<16xi32>
    %min3A_96 = arith.minsi %sub3A_93, %min3A_95 : vector<16xi32>
    %gather3A_97 = tpu.vector_load_idx %arg5[%min3A_96] : memref<144xi32, #tpu.memory_space<vmem>>[vector<16xi32>], vector<16xi32>,
    %le3A_98 = arith.constant 129 : i32
    %le3A_99 = vector.broadcast %le3A_98 : i32 to vector<16xi32>
    %le3A_100 = arith.cmpi sle, %add3A_90, %le3A_99 : vector<16xi32>
    %le3A_101 = arith.cmpi sle, %gather3A_97, %add3A_75 : vector<16xi32>
    %and3A_102 = arith.andi %le3A_100, %le3A_101 : vector<16xi1>
    %select_n3A_103 = arith.select %and3A_102, %add3A_90, %select_n3A : vector<16xi1>, vector<16xi32>
    %add3A_104 = arith.constant 32 : i32
    %add3A_105 = vector.broadcast %add3A_104 : i32 to vector<16xi32>
    %add3A_106 = arith.addi %select_n3A_103, %add3A_105 : vector<16xi32>
    %sub3A_107 = arith.constant 1 : i32
    %sub3A_108 = vector.broadcast %sub3A_107 : i32 to vector<16xi32>
    %sub3A_109 = arith.subi %add3A_106, %sub3A_108 : vector<16xi32>
    %min3A_110 = arith.constant 128 : i32
    %min3A_111 = vector.broadcast %min3A_110 : i32 to vector<16xi32>
    %min3A_112 = arith.minsi %sub3A_109, %min3A_111 : vector<16xi32>
    %gather3A_113 = tpu.vector_load_idx %arg5[%min3A_112] : memref<144xi32, #tpu.memory_space<vmem>>[vector<16xi32>], vector<16xi32>,
    %le3A_114 = arith.constant 129 : i32
    %le3A_115 = vector.broadcast %le3A_114 : i32 to vector<16xi32>
    %le3A_116 = arith.cmpi sle, %add3A_106, %le3A_115 : vector<16xi32>
    %le3A_117 = arith.cmpi sle, %gather3A_113, %add3A_75 : vector<16xi32>
    %and3A_118 = arith.andi %le3A_116, %le3A_117 : vector<16xi1>
    %select_n3A_119 = arith.select %and3A_118, %add3A_106, %select_n3A_103 : vector<16xi1>, vector<16xi32>
    %add3A_120 = arith.constant 16 : i32
    %add3A_121 = vector.broadcast %add3A_120 : i32 to vector<16xi32>
    %add3A_122 = arith.addi %select_n3A_119, %add3A_121 : vector<16xi32>
    %sub3A_123 = arith.constant 1 : i32
    %sub3A_124 = vector.broadcast %sub3A_123 : i32 to vector<16xi32>
    %sub3A_125 = arith.subi %add3A_122, %sub3A_124 : vector<16xi32>
    %min3A_126 = arith.constant 128 : i32
    %min3A_127 = vector.broadcast %min3A_126 : i32 to vector<16xi32>
    %min3A_128 = arith.minsi %sub3A_125, %min3A_127 : vector<16xi32>
    %gather3A_129 = tpu.vector_load_idx %arg5[%min3A_128] : memref<144xi32, #tpu.memory_space<vmem>>[vector<16xi32>], vector<16xi32>,
    %le3A_130 = arith.constant 129 : i32
    %le3A_131 = vector.broadcast %le3A_130 : i32 to vector<16xi32>
    %le3A_132 = arith.cmpi sle, %add3A_122, %le3A_131 : vector<16xi32>
    %le3A_133 = arith.cmpi sle, %gather3A_129, %add3A_75 : vector<16xi32>
    %and3A_134 = arith.andi %le3A_132, %le3A_133 : vector<16xi1>
    %select_n3A_135 = arith.select %and3A_134, %add3A_122, %select_n3A_119 : vector<16xi1>, vector<16xi32>
    %add3A_136 = arith.constant 8 : i32
    %add3A_137 = vector.broadcast %add3A_136 : i32 to vector<16xi32>
    %add3A_138 = arith.addi %select_n3A_135, %add3A_137 : vector<16xi32>
    %sub3A_139 = arith.constant 1 : i32
    %sub3A_140 = vector.broadcast %sub3A_139 : i32 to vector<16xi32>
    %sub3A_141 = arith.subi %add3A_138, %sub3A_140 : vector<16xi32>
    %min3A_142 = arith.constant 128 : i32
    %min3A_143 = vector.broadcast %min3A_142 : i32 to vector<16xi32>
    %min3A_144 = arith.minsi %sub3A_141, %min3A_143 : vector<16xi32>
    %gather3A_145 = tpu.vector_load_idx %arg5[%min3A_144] : memref<144xi32, #tpu.memory_space<vmem>>[vector<16xi32>], vector<16xi32>,
    %le3A_146 = arith.constant 129 : i32
    %le3A_147 = vector.broadcast %le3A_146 : i32 to vector<16xi32>
    %le3A_148 = arith.cmpi sle, %add3A_138, %le3A_147 : vector<16xi32>
    %le3A_149 = arith.cmpi sle, %gather3A_145, %add3A_75 : vector<16xi32>
    %and3A_150 = arith.andi %le3A_148, %le3A_149 : vector<16xi1>
    %select_n3A_151 = arith.select %and3A_150, %add3A_138, %select_n3A_135 : vector<16xi1>, vector<16xi32>
    %add3A_152 = arith.constant 4 : i32
    %add3A_153 = vector.broadcast %add3A_152 : i32 to vector<16xi32>
    %add3A_154 = arith.addi %select_n3A_151, %add3A_153 : vector<16xi32>
    %sub3A_155 = arith.constant 1 : i32
    %sub3A_156 = vector.broadcast %sub3A_155 : i32 to vector<16xi32>
    %sub3A_157 = arith.subi %add3A_154, %sub3A_156 : vector<16xi32>
    %min3A_158 = arith.constant 128 : i32
    %min3A_159 = vector.broadcast %min3A_158 : i32 to vector<16xi32>
    %min3A_160 = arith.minsi %sub3A_157, %min3A_159 : vector<16xi32>
    %gather3A_161 = tpu.vector_load_idx %arg5[%min3A_160] : memref<144xi32, #tpu.memory_space<vmem>>[vector<16xi32>], vector<16xi32>,
    %le3A_162 = arith.constant 129 : i32
    %le3A_163 = vector.broadcast %le3A_162 : i32 to vector<16xi32>
    %le3A_164 = arith.cmpi sle, %add3A_154, %le3A_163 : vector<16xi32>
    %le3A_165 = arith.cmpi sle, %gather3A_161, %add3A_75 : vector<16xi32>
    %and3A_166 = arith.andi %le3A_164, %le3A_165 : vector<16xi1>
    %select_n3A_167 = arith.select %and3A_166, %add3A_154, %select_n3A_151 : vector<16xi1>, vector<16xi32>
    %add3A_168 = arith.constant 2 : i32
    %add3A_169 = vector.broadcast %add3A_168 : i32 to vector<16xi32>
    %add3A_170 = arith.addi %select_n3A_167, %add3A_169 : vector<16xi32>
    %sub3A_171 = arith.constant 1 : i32
    %sub3A_172 = vector.broadcast %sub3A_171 : i32 to vector<16xi32>
    %sub3A_173 = arith.subi %add3A_170, %sub3A_172 : vector<16xi32>
    %min3A_174 = arith.constant 128 : i32
    %min3A_175 = vector.broadcast %min3A_174 : i32 to vector<16xi32>
    %min3A_176 = arith.minsi %sub3A_173, %min3A_175 : vector<16xi32>
    %gather3A_177 = tpu.vector_load_idx %arg5[%min3A_176] : memref<144xi32, #tpu.memory_space<vmem>>[vector<16xi32>], vector<16xi32>,
    %le3A_178 = arith.constant 129 : i32
    %le3A_179 = vector.broadcast %le3A_178 : i32 to vector<16xi32>
    %le3A_180 = arith.cmpi sle, %add3A_170, %le3A_179 : vector<16xi32>
    %le3A_181 = arith.cmpi sle, %gather3A_177, %add3A_75 : vector<16xi32>
    %and3A_182 = arith.andi %le3A_180, %le3A_181 : vector<16xi1>
    %select_n3A_183 = arith.select %and3A_182, %add3A_170, %select_n3A_167 : vector<16xi1>, vector<16xi32>
    %add3A_184 = arith.constant 1 : i32
    %add3A_185 = vector.broadcast %add3A_184 : i32 to vector<16xi32>
    %add3A_186 = arith.addi %select_n3A_183, %add3A_185 : vector<16xi32>
    %sub3A_187 = arith.constant 1 : i32
    %sub3A_188 = vector.broadcast %sub3A_187 : i32 to vector<16xi32>
    %sub3A_189 = arith.subi %add3A_186, %sub3A_188 : vector<16xi32>
    %min3A_190 = arith.constant 128 : i32
    %min3A_191 = vector.broadcast %min3A_190 : i32 to vector<16xi32>
    %min3A_192 = arith.minsi %sub3A_189, %min3A_191 : vector<16xi32>
    %gather3A_193 = tpu.vector_load_idx %arg5[%min3A_192] : memref<144xi32, #tpu.memory_space<vmem>>[vector<16xi32>], vector<16xi32>,
    %le3A_194 = arith.constant 129 : i32
    %le3A_195 = vector.broadcast %le3A_194 : i32 to vector<16xi32>
    %le3A_196 = arith.cmpi sle, %add3A_186, %le3A_195 : vector<16xi32>
    %le3A_197 = arith.cmpi sle, %gather3A_193, %add3A_75 : vector<16xi32>
    %and3A_198 = arith.andi %le3A_196, %le3A_197 : vector<16xi1>
    %select_n3A_199 = arith.select %and3A_198, %add3A_186, %select_n3A_183 : vector<16xi1>, vector<16xi32>
    %min3A_200 = arith.constant 128 : i32
    %min3A_201 = vector.broadcast %min3A_200 : i32 to vector<16xi32>
    %min3A_202 = arith.minsi %select_n3A_199, %min3A_201 : vector<16xi32>
    %gather3A_203 = tpu.vector_load_idx %arg6[%min3A_202] : memref<144xi32, #tpu.memory_space<vmem>>[vector<16xi32>], vector<16xi32>,
    %add3A_204 = arith.addi %add3A_75, %gather3A_203 : vector<16xi32>
    %swap3A_205 = arith.constant 0 : index
    %swap3A_206 = tpu.vector_load %arg7[%swap3A_205] {strides = array<i32>} : memref<128xi32, #tpu.memory_space<vmem>>, vector<16xi32>,
    tpu.vector_store %arg7[%swap3A_205], %add3A_204 {strides = array<i32>} : memref<128xi32, #tpu.memory_space<vmem>>, vector<16xi32>,
    %add3A_207 = arith.constant 16 : i32
    %add3A_208 = vector.broadcast %add3A_207 : i32 to vector<16xi32>
    %add3A_209 = arith.addi %iota3A, %add3A_208 : vector<16xi32>
    %broadcast_in_dim3A_210 = arith.constant 0 : i32
    %broadcast_in_dim3A_211 = vector.broadcast %broadcast_in_dim3A_210 : i32 to vector<16xi32>
    %add3A_212 = arith.constant 128 : i32
    %add3A_213 = vector.broadcast %add3A_212 : i32 to vector<16xi32>
    %add3A_214 = arith.addi %broadcast_in_dim3A_211, %add3A_213 : vector<16xi32>
    %sub3A_215 = arith.constant 1 : i32
    %sub3A_216 = vector.broadcast %sub3A_215 : i32 to vector<16xi32>
    %sub3A_217 = arith.subi %add3A_214, %sub3A_216 : vector<16xi32>
    %min3A_218 = arith.constant 128 : i32
    %min3A_219 = vector.broadcast %min3A_218 : i32 to vector<16xi32>
    %min3A_220 = arith.minsi %sub3A_217, %min3A_219 : vector<16xi32>
    %gather3A_221 = tpu.vector_load_idx %arg5[%min3A_220] : memref<144xi32, #tpu.memory_space<vmem>>[vector<16xi32>], vector<16xi32>,
    %le3A_222 = arith.constant 129 : i32
    %le3A_223 = vector.broadcast %le3A_222 : i32 to vector<16xi32>
    %le3A_224 = arith.cmpi sle, %add3A_214, %le3A_223 : vector<16xi32>
    %le3A_225 = arith.cmpi sle, %gather3A_221, %add3A_209 : vector<16xi32>
    %and3A_226 = arith.andi %le3A_224, %le3A_225 : vector<16xi1>
    %select_n3A_227 = arith.select %and3A_226, %add3A_214, %broadcast_in_dim3A_211 : vector<16xi1>, vector<16xi32>
    %add3A_228 = arith.constant 64 : i32
    %add3A_229 = vector.broadcast %add3A_228 : i32 to vector<16xi32>
    %add3A_230 = arith.addi %select_n3A_227, %add3A_229 : vector<16xi32>
    %sub3A_231 = arith.constant 1 : i32
    %sub3A_232 = vector.broadcast %sub3A_231 : i32 to vector<16xi32>
    %sub3A_233 = arith.subi %add3A_230, %sub3A_232 : vector<16xi32>
    %min3A_234 = arith.constant 128 : i32
    %min3A_235 = vector.broadcast %min3A_234 : i32 to vector<16xi32>
    %min3A_236 = arith.minsi %sub3A_233, %min3A_235 : vector<16xi32>
    %gather3A_237 = tpu.vector_load_idx %arg5[%min3A_236] : memref<144xi32, #tpu.memory_space<vmem>>[vector<16xi32>], vector<16xi32>,
    %le3A_238 = arith.constant 129 : i32
    %le3A_239 = vector.broadcast %le3A_238 : i32 to vector<16xi32>
    %le3A_240 = arith.cmpi sle, %add3A_230, %le3A_239 : vector<16xi32>
    %le3A_241 = arith.cmpi sle, %gather3A_237, %add3A_209 : vector<16xi32>
    %and3A_242 = arith.andi %le3A_240, %le3A_241 : vector<16xi1>
    %select_n3A_243 = arith.select %and3A_242, %add3A_230, %select_n3A_227 : vector<16xi1>, vector<16xi32>
    %add3A_244 = arith.constant 32 : i32
    %add3A_245 = vector.broadcast %add3A_244 : i32 to vector<16xi32>
    %add3A_246 = arith.addi %select_n3A_243, %add3A_245 : vector<16xi32>
    %sub3A_247 = arith.constant 1 : i32
    %sub3A_248 = vector.broadcast %sub3A_247 : i32 to vector<16xi32>
    %sub3A_249 = arith.subi %add3A_246, %sub3A_248 : vector<16xi32>
    %min3A_250 = arith.constant 128 : i32
    %min3A_251 = vector.broadcast %min3A_250 : i32 to vector<16xi32>
    %min3A_252 = arith.minsi %sub3A_249, %min3A_251 : vector<16xi32>
    %gather3A_253 = tpu.vector_load_idx %arg5[%min3A_252] : memref<144xi32, #tpu.memory_space<vmem>>[vector<16xi32>], vector<16xi32>,
    %le3A_254 = arith.constant 129 : i32
    %le3A_255 = vector.broadcast %le3A_254 : i32 to vector<16xi32>
    %le3A_256 = arith.cmpi sle, %add3A_246, %le3A_255 : vector<16xi32>
    %le3A_257 = arith.cmpi sle, %gather3A_253, %add3A_209 : vector<16xi32>
    %and3A_258 = arith.andi %le3A_256, %le3A_257 : vector<16xi1>
    %select_n3A_259 = arith.select %and3A_258, %add3A_246, %select_n3A_243 : vector<16xi1>, vector<16xi32>
    %add3A_260 = arith.constant 16 : i32
    %add3A_261 = vector.broadcast %add3A_260 : i32 to vector<16xi32>
    %add3A_262 = arith.addi %select_n3A_259, %add3A_261 : vector<16xi32>
    %sub3A_263 = arith.constant 1 : i32
    %sub3A_264 = vector.broadcast %sub3A_263 : i32 to vector<16xi32>
    %sub3A_265 = arith.subi %add3A_262, %sub3A_264 : vector<16xi32>
    %min3A_266 = arith.constant 128 : i32
    %min3A_267 = vector.broadcast %min3A_266 : i32 to vector<16xi32>
    %min3A_268 = arith.minsi %sub3A_265, %min3A_267 : vector<16xi32>
    %gather3A_269 = tpu.vector_load_idx %arg5[%min3A_268] : memref<144xi32, #tpu.memory_space<vmem>>[vector<16xi32>], vector<16xi32>,
    %le3A_270 = arith.constant 129 : i32
    %le3A_271 = vector.broadcast %le3A_270 : i32 to vector<16xi32>
    %le3A_272 = arith.cmpi sle, %add3A_262, %le3A_271 : vector<16xi32>
    %le3A_273 = arith.cmpi sle, %gather3A_269, %add3A_209 : vector<16xi32>
    %and3A_274 = arith.andi %le3A_272, %le3A_273 : vector<16xi1>
    %select_n3A_275 = arith.select %and3A_274, %add3A_262, %select_n3A_259 : vector<16xi1>, vector<16xi32>
    %add3A_276 = arith.constant 8 : i32
    %add3A_277 = vector.broadcast %add3A_276 : i32 to vector<16xi32>
    %add3A_278 = arith.addi %select_n3A_275, %add3A_277 : vector<16xi32>
    %sub3A_279 = arith.constant 1 : i32
    %sub3A_280 = vector.broadcast %sub3A_279 : i32 to vector<16xi32>
    %sub3A_281 = arith.subi %add3A_278, %sub3A_280 : vector<16xi32>
    %min3A_282 = arith.constant 128 : i32
    %min3A_283 = vector.broadcast %min3A_282 : i32 to vector<16xi32>
    %min3A_284 = arith.minsi %sub3A_281, %min3A_283 : vector<16xi32>
    %gather3A_285 = tpu.vector_load_idx %arg5[%min3A_284] : memref<144xi32, #tpu.memory_space<vmem>>[vector<16xi32>], vector<16xi32>,
    %le3A_286 = arith.constant 129 : i32
    %le3A_287 = vector.broadcast %le3A_286 : i32 to vector<16xi32>
    %le3A_288 = arith.cmpi sle, %add3A_278, %le3A_287 : vector<16xi32>
    %le3A_289 = arith.cmpi sle, %gather3A_285, %add3A_209 : vector<16xi32>
    %and3A_290 = arith.andi %le3A_288, %le3A_289 : vector<16xi1>
    %select_n3A_291 = arith.select %and3A_290, %add3A_278, %select_n3A_275 : vector<16xi1>, vector<16xi32>
    %add3A_292 = arith.constant 4 : i32
    %add3A_293 = vector.broadcast %add3A_292 : i32 to vector<16xi32>
    %add3A_294 = arith.addi %select_n3A_291, %add3A_293 : vector<16xi32>
    %sub3A_295 = arith.constant 1 : i32
    %sub3A_296 = vector.broadcast %sub3A_295 : i32 to vector<16xi32>
    %sub3A_297 = arith.subi %add3A_294, %sub3A_296 : vector<16xi32>
    %min3A_298 = arith.constant 128 : i32
    %min3A_299 = vector.broadcast %min3A_298 : i32 to vector<16xi32>
    %min3A_300 = arith.minsi %sub3A_297, %min3A_299 : vector<16xi32>
    %gather3A_301 = tpu.vector_load_idx %arg5[%min3A_300] : memref<144xi32, #tpu.memory_space<vmem>>[vector<16xi32>], vector<16xi32>,
    %le3A_302 = arith.constant 129 : i32
    %le3A_303 = vector.broadcast %le3A_302 : i32 to vector<16xi32>
    %le3A_304 = arith.cmpi sle, %add3A_294, %le3A_303 : vector<16xi32>
    %le3A_305 = arith.cmpi sle, %gather3A_301, %add3A_209 : vector<16xi32>
    %and3A_306 = arith.andi %le3A_304, %le3A_305 : vector<16xi1>
    %select_n3A_307 = arith.select %and3A_306, %add3A_294, %select_n3A_291 : vector<16xi1>, vector<16xi32>
    %add3A_308 = arith.constant 2 : i32
    %add3A_309 = vector.broadcast %add3A_308 : i32 to vector<16xi32>
    %add3A_310 = arith.addi %select_n3A_307, %add3A_309 : vector<16xi32>
    %sub3A_311 = arith.constant 1 : i32
    %sub3A_312 = vector.broadcast %sub3A_311 : i32 to vector<16xi32>
    %sub3A_313 = arith.subi %add3A_310, %sub3A_312 : vector<16xi32>
    %min3A_314 = arith.constant 128 : i32
    %min3A_315 = vector.broadcast %min3A_314 : i32 to vector<16xi32>
    %min3A_316 = arith.minsi %sub3A_313, %min3A_315 : vector<16xi32>
    %gather3A_317 = tpu.vector_load_idx %arg5[%min3A_316] : memref<144xi32, #tpu.memory_space<vmem>>[vector<16xi32>], vector<16xi32>,
    %le3A_318 = arith.constant 129 : i32
    %le3A_319 = vector.broadcast %le3A_318 : i32 to vector<16xi32>
    %le3A_320 = arith.cmpi sle, %add3A_310, %le3A_319 : vector<16xi32>
    %le3A_321 = arith.cmpi sle, %gather3A_317, %add3A_209 : vector<16xi32>
    %and3A_322 = arith.andi %le3A_320, %le3A_321 : vector<16xi1>
    %select_n3A_323 = arith.select %and3A_322, %add3A_310, %select_n3A_307 : vector<16xi1>, vector<16xi32>
    %add3A_324 = arith.constant 1 : i32
    %add3A_325 = vector.broadcast %add3A_324 : i32 to vector<16xi32>
    %add3A_326 = arith.addi %select_n3A_323, %add3A_325 : vector<16xi32>
    %sub3A_327 = arith.constant 1 : i32
    %sub3A_328 = vector.broadcast %sub3A_327 : i32 to vector<16xi32>
    %sub3A_329 = arith.subi %add3A_326, %sub3A_328 : vector<16xi32>
    %min3A_330 = arith.constant 128 : i32
    %min3A_331 = vector.broadcast %min3A_330 : i32 to vector<16xi32>
    %min3A_332 = arith.minsi %sub3A_329, %min3A_331 : vector<16xi32>
    %gather3A_333 = tpu.vector_load_idx %arg5[%min3A_332] : memref<144xi32, #tpu.memory_space<vmem>>[vector<16xi32>], vector<16xi32>,
    %le3A_334 = arith.constant 129 : i32
    %le3A_335 = vector.broadcast %le3A_334 : i32 to vector<16xi32>
    %le3A_336 = arith.cmpi sle, %add3A_326, %le3A_335 : vector<16xi32>
    %le3A_337 = arith.cmpi sle, %gather3A_333, %add3A_209 : vector<16xi32>
    %and3A_338 = arith.andi %le3A_336, %le3A_337 : vector<16xi1>
    %select_n3A_339 = arith.select %and3A_338, %add3A_326, %select_n3A_323 : vector<16xi1>, vector<16xi32>
    %min3A_340 = arith.constant 128 : i32
    %min3A_341 = vector.broadcast %min3A_340 : i32 to vector<16xi32>
    %min3A_342 = arith.minsi %select_n3A_339, %min3A_341 : vector<16xi32>
    %gather3A_343 = tpu.vector_load_idx %arg6[%min3A_342] : memref<144xi32, #tpu.memory_space<vmem>>[vector<16xi32>], vector<16xi32>,
    %add3A_344 = arith.addi %add3A_209, %gather3A_343 : vector<16xi32>
    %swap3A_345 = arith.constant 16 : index
    %swap3A_346 = tpu.vector_load %arg7[%swap3A_345] {strides = array<i32>} : memref<128xi32, #tpu.memory_space<vmem>>, vector<16xi32>,
    tpu.vector_store %arg7[%swap3A_345], %add3A_344 {strides = array<i32>} : memref<128xi32, #tpu.memory_space<vmem>>, vector<16xi32>,
    %add3A_347 = arith.constant 32 : i32
    %add3A_348 = vector.broadcast %add3A_347 : i32 to vector<16xi32>
    %add3A_349 = arith.addi %iota3A, %add3A_348 : vector<16xi32>
    %broadcast_in_dim3A_350 = arith.constant 0 : i32
    %broadcast_in_dim3A_351 = vector.broadcast %broadcast_in_dim3A_350 : i32 to vector<16xi32>
    %add3A_352 = arith.constant 128 : i32
    %add3A_353 = vector.broadcast %add3A_352 : i32 to vector<16xi32>
    %add3A_354 = arith.addi %broadcast_in_dim3A_351, %add3A_353 : vector<16xi32>
    %sub3A_355 = arith.constant 1 : i32
    %sub3A_356 = vector.broadcast %sub3A_355 : i32 to vector<16xi32>
    %sub3A_357 = arith.subi %add3A_354, %sub3A_356 : vector<16xi32>
    %min3A_358 = arith.constant 128 : i32
    %min3A_359 = vector.broadcast %min3A_358 : i32 to vector<16xi32>
    %min3A_360 = arith.minsi %sub3A_357, %min3A_359 : vector<16xi32>
    %gather3A_361 = tpu.vector_load_idx %arg5[%min3A_360] : memref<144xi32, #tpu.memory_space<vmem>>[vector<16xi32>], vector<16xi32>,
    %le3A_362 = arith.constant 129 : i32
    %le3A_363 = vector.broadcast %le3A_362 : i32 to vector<16xi32>
    %le3A_364 = arith.cmpi sle, %add3A_354, %le3A_363 : vector<16xi32>
    %le3A_365 = arith.cmpi sle, %gather3A_361, %add3A_349 : vector<16xi32>
    %and3A_366 = arith.andi %le3A_364, %le3A_365 : vector<16xi1>
    %select_n3A_367 = arith.select %and3A_366, %add3A_354, %broadcast_in_dim3A_351 : vector<16xi1>, vector<16xi32>
    %add3A_368 = arith.constant 64 : i32
    %add3A_369 = vector.broadcast %add3A_368 : i32 to vector<16xi32>
    %add3A_370 = arith.addi %select_n3A_367, %add3A_369 : vector<16xi32>
    %sub3A_371 = arith.constant 1 : i32
    %sub3A_372 = vector.broadcast %sub3A_371 : i32 to vector<16xi32>
    %sub3A_373 = arith.subi %add3A_370, %sub3A_372 : vector<16xi32>
    %min3A_374 = arith.constant 128 : i32
    %min3A_375 = vector.broadcast %min3A_374 : i32 to vector<16xi32>
    %min3A_376 = arith.minsi %sub3A_373, %min3A_375 : vector<16xi32>
    %gather3A_377 = tpu.vector_load_idx %arg5[%min3A_376] : memref<144xi32, #tpu.memory_space<vmem>>[vector<16xi32>], vector<16xi32>,
    %le3A_378 = arith.constant 129 : i32
    %le3A_379 = vector.broadcast %le3A_378 : i32 to vector<16xi32>
    %le3A_380 = arith.cmpi sle, %add3A_370, %le3A_379 : vector<16xi32>
    %le3A_381 = arith.cmpi sle, %gather3A_377, %add3A_349 : vector<16xi32>
    %and3A_382 = arith.andi %le3A_380, %le3A_381 : vector<16xi1>
    %select_n3A_383 = arith.select %and3A_382, %add3A_370, %select_n3A_367 : vector<16xi1>, vector<16xi32>
    %add3A_384 = arith.constant 32 : i32
    %add3A_385 = vector.broadcast %add3A_384 : i32 to vector<16xi32>
    %add3A_386 = arith.addi %select_n3A_383, %add3A_385 : vector<16xi32>
    %sub3A_387 = arith.constant 1 : i32
    %sub3A_388 = vector.broadcast %sub3A_387 : i32 to vector<16xi32>
    %sub3A_389 = arith.subi %add3A_386, %sub3A_388 : vector<16xi32>
    %min3A_390 = arith.constant 128 : i32
    %min3A_391 = vector.broadcast %min3A_390 : i32 to vector<16xi32>
    %min3A_392 = arith.minsi %sub3A_389, %min3A_391 : vector<16xi32>
    %gather3A_393 = tpu.vector_load_idx %arg5[%min3A_392] : memref<144xi32, #tpu.memory_space<vmem>>[vector<16xi32>], vector<16xi32>,
    %le3A_394 = arith.constant 129 : i32
    %le3A_395 = vector.broadcast %le3A_394 : i32 to vector<16xi32>
    %le3A_396 = arith.cmpi sle, %add3A_386, %le3A_395 : vector<16xi32>
    %le3A_397 = arith.cmpi sle, %gather3A_393, %add3A_349 : vector<16xi32>
    %and3A_398 = arith.andi %le3A_396, %le3A_397 : vector<16xi1>
    %select_n3A_399 = arith.select %and3A_398, %add3A_386, %select_n3A_383 : vector<16xi1>, vector<16xi32>
    %add3A_400 = arith.constant 16 : i32
    %add3A_401 = vector.broadcast %add3A_400 : i32 to vector<16xi32>
    %add3A_402 = arith.addi %select_n3A_399, %add3A_401 : vector<16xi32>
    %sub3A_403 = arith.constant 1 : i32
    %sub3A_404 = vector.broadcast %sub3A_403 : i32 to vector<16xi32>
    %sub3A_405 = arith.subi %add3A_402, %sub3A_404 : vector<16xi32>
    %min3A_406 = arith.constant 128 : i32
    %min3A_407 = vector.broadcast %min3A_406 : i32 to vector<16xi32>
    %min3A_408 = arith.minsi %sub3A_405, %min3A_407 : vector<16xi32>
    %gather3A_409 = tpu.vector_load_idx %arg5[%min3A_408] : memref<144xi32, #tpu.memory_space<vmem>>[vector<16xi32>], vector<16xi32>,
    %le3A_410 = arith.constant 129 : i32
    %le3A_411 = vector.broadcast %le3A_410 : i32 to vector<16xi32>
    %le3A_412 = arith.cmpi sle, %add3A_402, %le3A_411 : vector<16xi32>
    %le3A_413 = arith.cmpi sle, %gather3A_409, %add3A_349 : vector<16xi32>
    %and3A_414 = arith.andi %le3A_412, %le3A_413 : vector<16xi1>
    %select_n3A_415 = arith.select %and3A_414, %add3A_402, %select_n3A_399 : vector<16xi1>, vector<16xi32>
    %add3A_416 = arith.constant 8 : i32
    %add3A_417 = vector.broadcast %add3A_416 : i32 to vector<16xi32>
    %add3A_418 = arith.addi %select_n3A_415, %add3A_417 : vector<16xi32>
    %sub3A_419 = arith.constant 1 : i32
    %sub3A_420 = vector.broadcast %sub3A_419 : i32 to vector<16xi32>
    %sub3A_421 = arith.subi %add3A_418, %sub3A_420 : vector<16xi32>
    %min3A_422 = arith.constant 128 : i32
    %min3A_423 = vector.broadcast %min3A_422 : i32 to vector<16xi32>
    %min3A_424 = arith.minsi %sub3A_421, %min3A_423 : vector<16xi32>
    %gather3A_425 = tpu.vector_load_idx %arg5[%min3A_424] : memref<144xi32, #tpu.memory_space<vmem>>[vector<16xi32>], vector<16xi32>,
    %le3A_426 = arith.constant 129 : i32
    %le3A_427 = vector.broadcast %le3A_426 : i32 to vector<16xi32>
    %le3A_428 = arith.cmpi sle, %add3A_418, %le3A_427 : vector<16xi32>
    %le3A_429 = arith.cmpi sle, %gather3A_425, %add3A_349 : vector<16xi32>
    %and3A_430 = arith.andi %le3A_428, %le3A_429 : vector<16xi1>
    %select_n3A_431 = arith.select %and3A_430, %add3A_418, %select_n3A_415 : vector<16xi1>, vector<16xi32>
    %add3A_432 = arith.constant 4 : i32
    %add3A_433 = vector.broadcast %add3A_432 : i32 to vector<16xi32>
    %add3A_434 = arith.addi %select_n3A_431, %add3A_433 : vector<16xi32>
    %sub3A_435 = arith.constant 1 : i32
    %sub3A_436 = vector.broadcast %sub3A_435 : i32 to vector<16xi32>
    %sub3A_437 = arith.subi %add3A_434, %sub3A_436 : vector<16xi32>
    %min3A_438 = arith.constant 128 : i32
    %min3A_439 = vector.broadcast %min3A_438 : i32 to vector<16xi32>
    %min3A_440 = arith.minsi %sub3A_437, %min3A_439 : vector<16xi32>
    %gather3A_441 = tpu.vector_load_idx %arg5[%min3A_440] : memref<144xi32, #tpu.memory_space<vmem>>[vector<16xi32>], vector<16xi32>,
    %le3A_442 = arith.constant 129 : i32
    %le3A_443 = vector.broadcast %le3A_442 : i32 to vector<16xi32>
    %le3A_444 = arith.cmpi sle, %add3A_434, %le3A_443 : vector<16xi32>
    %le3A_445 = arith.cmpi sle, %gather3A_441, %add3A_349 : vector<16xi32>
    %and3A_446 = arith.andi %le3A_444, %le3A_445 : vector<16xi1>
    %select_n3A_447 = arith.select %and3A_446, %add3A_434, %select_n3A_431 : vector<16xi1>, vector<16xi32>
    %add3A_448 = arith.constant 2 : i32
    %add3A_449 = vector.broadcast %add3A_448 : i32 to vector<16xi32>
    %add3A_450 = arith.addi %select_n3A_447, %add3A_449 : vector<16xi32>
    %sub3A_451 = arith.constant 1 : i32
    %sub3A_452 = vector.broadcast %sub3A_451 : i32 to vector<16xi32>
    %sub3A_453 = arith.subi %add3A_450, %sub3A_452 : vector<16xi32>
    %min3A_454 = arith.constant 128 : i32
    %min3A_455 = vector.broadcast %min3A_454 : i32 to vector<16xi32>
    %min3A_456 = arith.minsi %sub3A_453, %min3A_455 : vector<16xi32>
    %gather3A_457 = tpu.vector_load_idx %arg5[%min3A_456] : memref<144xi32, #tpu.memory_space<vmem>>[vector<16xi32>], vector<16xi32>,
    %le3A_458 = arith.constant 129 : i32
    %le3A_459 = vector.broadcast %le3A_458 : i32 to vector<16xi32>
    %le3A_460 = arith.cmpi sle, %add3A_450, %le3A_459 : vector<16xi32>
    %le3A_461 = arith.cmpi sle, %gather3A_457, %add3A_349 : vector<16xi32>
    %and3A_462 = arith.andi %le3A_460, %le3A_461 : vector<16xi1>
    %select_n3A_463 = arith.select %and3A_462, %add3A_450, %select_n3A_447 : vector<16xi1>, vector<16xi32>
    %add3A_464 = arith.constant 1 : i32
    %add3A_465 = vector.broadcast %add3A_464 : i32 to vector<16xi32>
    %add3A_466 = arith.addi %select_n3A_463, %add3A_465 : vector<16xi32>
    %sub3A_467 = arith.constant 1 : i32
    %sub3A_468 = vector.broadcast %sub3A_467 : i32 to vector<16xi32>
    %sub3A_469 = arith.subi %add3A_466, %sub3A_468 : vector<16xi32>
    %min3A_470 = arith.constant 128 : i32
    %min3A_471 = vector.broadcast %min3A_470 : i32 to vector<16xi32>
    %min3A_472 = arith.minsi %sub3A_469, %min3A_471 : vector<16xi32>
    %gather3A_473 = tpu.vector_load_idx %arg5[%min3A_472] : memref<144xi32, #tpu.memory_space<vmem>>[vector<16xi32>], vector<16xi32>,
    %le3A_474 = arith.constant 129 : i32
    %le3A_475 = vector.broadcast %le3A_474 : i32 to vector<16xi32>
    %le3A_476 = arith.cmpi sle, %add3A_466, %le3A_475 : vector<16xi32>
    %le3A_477 = arith.cmpi sle, %gather3A_473, %add3A_349 : vector<16xi32>
    %and3A_478 = arith.andi %le3A_476, %le3A_477 : vector<16xi1>
    %select_n3A_479 = arith.select %and3A_478, %add3A_466, %select_n3A_463 : vector<16xi1>, vector<16xi32>
    %min3A_480 = arith.constant 128 : i32
    %min3A_481 = vector.broadcast %min3A_480 : i32 to vector<16xi32>
    %min3A_482 = arith.minsi %select_n3A_479, %min3A_481 : vector<16xi32>
    %gather3A_483 = tpu.vector_load_idx %arg6[%min3A_482] : memref<144xi32, #tpu.memory_space<vmem>>[vector<16xi32>], vector<16xi32>,
    %add3A_484 = arith.addi %add3A_349, %gather3A_483 : vector<16xi32>
    %swap3A_485 = arith.constant 32 : index
    %swap3A_486 = tpu.vector_load %arg7[%swap3A_485] {strides = array<i32>} : memref<128xi32, #tpu.memory_space<vmem>>, vector<16xi32>,
    tpu.vector_store %arg7[%swap3A_485], %add3A_484 {strides = array<i32>} : memref<128xi32, #tpu.memory_space<vmem>>, vector<16xi32>,
    %add3A_487 = arith.constant 48 : i32
    %add3A_488 = vector.broadcast %add3A_487 : i32 to vector<16xi32>
    %add3A_489 = arith.addi %iota3A, %add3A_488 : vector<16xi32>
    %broadcast_in_dim3A_490 = arith.constant 0 : i32
    %broadcast_in_dim3A_491 = vector.broadcast %broadcast_in_dim3A_490 : i32 to vector<16xi32>
    %add3A_492 = arith.constant 128 : i32
    %add3A_493 = vector.broadcast %add3A_492 : i32 to vector<16xi32>
    %add3A_494 = arith.addi %broadcast_in_dim3A_491, %add3A_493 : vector<16xi32>
    %sub3A_495 = arith.constant 1 : i32
    %sub3A_496 = vector.broadcast %sub3A_495 : i32 to vector<16xi32>
    %sub3A_497 = arith.subi %add3A_494, %sub3A_496 : vector<16xi32>
    %min3A_498 = arith.constant 128 : i32
    %min3A_499 = vector.broadcast %min3A_498 : i32 to vector<16xi32>
    %min3A_500 = arith.minsi %sub3A_497, %min3A_499 : vector<16xi32>
    %gather3A_501 = tpu.vector_load_idx %arg5[%min3A_500] : memref<144xi32, #tpu.memory_space<vmem>>[vector<16xi32>], vector<16xi32>,
    %le3A_502 = arith.constant 129 : i32
    %le3A_503 = vector.broadcast %le3A_502 : i32 to vector<16xi32>
    %le3A_504 = arith.cmpi sle, %add3A_494, %le3A_503 : vector<16xi32>
    %le3A_505 = arith.cmpi sle, %gather3A_501, %add3A_489 : vector<16xi32>
    %and3A_506 = arith.andi %le3A_504, %le3A_505 : vector<16xi1>
    %select_n3A_507 = arith.select %and3A_506, %add3A_494, %broadcast_in_dim3A_491 : vector<16xi1>, vector<16xi32>
    %add3A_508 = arith.constant 64 : i32
    %add3A_509 = vector.broadcast %add3A_508 : i32 to vector<16xi32>
    %add3A_510 = arith.addi %select_n3A_507, %add3A_509 : vector<16xi32>
    %sub3A_511 = arith.constant 1 : i32
    %sub3A_512 = vector.broadcast %sub3A_511 : i32 to vector<16xi32>
    %sub3A_513 = arith.subi %add3A_510, %sub3A_512 : vector<16xi32>
    %min3A_514 = arith.constant 128 : i32
    %min3A_515 = vector.broadcast %min3A_514 : i32 to vector<16xi32>
    %min3A_516 = arith.minsi %sub3A_513, %min3A_515 : vector<16xi32>
    %gather3A_517 = tpu.vector_load_idx %arg5[%min3A_516] : memref<144xi32, #tpu.memory_space<vmem>>[vector<16xi32>], vector<16xi32>,
    %le3A_518 = arith.constant 129 : i32
    %le3A_519 = vector.broadcast %le3A_518 : i32 to vector<16xi32>
    %le3A_520 = arith.cmpi sle, %add3A_510, %le3A_519 : vector<16xi32>
    %le3A_521 = arith.cmpi sle, %gather3A_517, %add3A_489 : vector<16xi32>
    %and3A_522 = arith.andi %le3A_520, %le3A_521 : vector<16xi1>
    %select_n3A_523 = arith.select %and3A_522, %add3A_510, %select_n3A_507 : vector<16xi1>, vector<16xi32>
    %add3A_524 = arith.constant 32 : i32
    %add3A_525 = vector.broadcast %add3A_524 : i32 to vector<16xi32>
    %add3A_526 = arith.addi %select_n3A_523, %add3A_525 : vector<16xi32>
    %sub3A_527 = arith.constant 1 : i32
    %sub3A_528 = vector.broadcast %sub3A_527 : i32 to vector<16xi32>
    %sub3A_529 = arith.subi %add3A_526, %sub3A_528 : vector<16xi32>
    %min3A_530 = arith.constant 128 : i32
    %min3A_531 = vector.broadcast %min3A_530 : i32 to vector<16xi32>
    %min3A_532 = arith.minsi %sub3A_529, %min3A_531 : vector<16xi32>
    %gather3A_533 = tpu.vector_load_idx %arg5[%min3A_532] : memref<144xi32, #tpu.memory_space<vmem>>[vector<16xi32>], vector<16xi32>,
    %le3A_534 = arith.constant 129 : i32
    %le3A_535 = vector.broadcast %le3A_534 : i32 to vector<16xi32>
    %le3A_536 = arith.cmpi sle, %add3A_526, %le3A_535 : vector<16xi32>
    %le3A_537 = arith.cmpi sle, %gather3A_533, %add3A_489 : vector<16xi32>
    %and3A_538 = arith.andi %le3A_536, %le3A_537 : vector<16xi1>
    %select_n3A_539 = arith.select %and3A_538, %add3A_526, %select_n3A_523 : vector<16xi1>, vector<16xi32>
    %add3A_540 = arith.constant 16 : i32
    %add3A_541 = vector.broadcast %add3A_540 : i32 to vector<16xi32>
    %add3A_542 = arith.addi %select_n3A_539, %add3A_541 : vector<16xi32>
    %sub3A_543 = arith.constant 1 : i32
    %sub3A_544 = vector.broadcast %sub3A_543 : i32 to vector<16xi32>
    %sub3A_545 = arith.subi %add3A_542, %sub3A_544 : vector<16xi32>
    %min3A_546 = arith.constant 128 : i32
    %min3A_547 = vector.broadcast %min3A_546 : i32 to vector<16xi32>
    %min3A_548 = arith.minsi %sub3A_545, %min3A_547 : vector<16xi32>
    %gather3A_549 = tpu.vector_load_idx %arg5[%min3A_548] : memref<144xi32, #tpu.memory_space<vmem>>[vector<16xi32>], vector<16xi32>,
    %le3A_550 = arith.constant 129 : i32
    %le3A_551 = vector.broadcast %le3A_550 : i32 to vector<16xi32>
    %le3A_552 = arith.cmpi sle, %add3A_542, %le3A_551 : vector<16xi32>
    %le3A_553 = arith.cmpi sle, %gather3A_549, %add3A_489 : vector<16xi32>
    %and3A_554 = arith.andi %le3A_552, %le3A_553 : vector<16xi1>
    %select_n3A_555 = arith.select %and3A_554, %add3A_542, %select_n3A_539 : vector<16xi1>, vector<16xi32>
    %add3A_556 = arith.constant 8 : i32
    %add3A_557 = vector.broadcast %add3A_556 : i32 to vector<16xi32>
    %add3A_558 = arith.addi %select_n3A_555, %add3A_557 : vector<16xi32>
    %sub3A_559 = arith.constant 1 : i32
    %sub3A_560 = vector.broadcast %sub3A_559 : i32 to vector<16xi32>
    %sub3A_561 = arith.subi %add3A_558, %sub3A_560 : vector<16xi32>
    %min3A_562 = arith.constant 128 : i32
    %min3A_563 = vector.broadcast %min3A_562 : i32 to vector<16xi32>
    %min3A_564 = arith.minsi %sub3A_561, %min3A_563 : vector<16xi32>
    %gather3A_565 = tpu.vector_load_idx %arg5[%min3A_564] : memref<144xi32, #tpu.memory_space<vmem>>[vector<16xi32>], vector<16xi32>,
    %le3A_566 = arith.constant 129 : i32
    %le3A_567 = vector.broadcast %le3A_566 : i32 to vector<16xi32>
    %le3A_568 = arith.cmpi sle, %add3A_558, %le3A_567 : vector<16xi32>
    %le3A_569 = arith.cmpi sle, %gather3A_565, %add3A_489 : vector<16xi32>
    %and3A_570 = arith.andi %le3A_568, %le3A_569 : vector<16xi1>
    %select_n3A_571 = arith.select %and3A_570, %add3A_558, %select_n3A_555 : vector<16xi1>, vector<16xi32>
    %add3A_572 = arith.constant 4 : i32
    %add3A_573 = vector.broadcast %add3A_572 : i32 to vector<16xi32>
    %add3A_574 = arith.addi %select_n3A_571, %add3A_573 : vector<16xi32>
    %sub3A_575 = arith.constant 1 : i32
    %sub3A_576 = vector.broadcast %sub3A_575 : i32 to vector<16xi32>
    %sub3A_577 = arith.subi %add3A_574, %sub3A_576 : vector<16xi32>
    %min3A_578 = arith.constant 128 : i32
    %min3A_579 = vector.broadcast %min3A_578 : i32 to vector<16xi32>
    %min3A_580 = arith.minsi %sub3A_577, %min3A_579 : vector<16xi32>
    %gather3A_581 = tpu.vector_load_idx %arg5[%min3A_580] : memref<144xi32, #tpu.memory_space<vmem>>[vector<16xi32>], vector<16xi32>,
    %le3A_582 = arith.constant 129 : i32
    %le3A_583 = vector.broadcast %le3A_582 : i32 to vector<16xi32>
    %le3A_584 = arith.cmpi sle, %add3A_574, %le3A_583 : vector<16xi32>
    %le3A_585 = arith.cmpi sle, %gather3A_581, %add3A_489 : vector<16xi32>
    %and3A_586 = arith.andi %le3A_584, %le3A_585 : vector<16xi1>
    %select_n3A_587 = arith.select %and3A_586, %add3A_574, %select_n3A_571 : vector<16xi1>, vector<16xi32>
    %add3A_588 = arith.constant 2 : i32
    %add3A_589 = vector.broadcast %add3A_588 : i32 to vector<16xi32>
    %add3A_590 = arith.addi %select_n3A_587, %add3A_589 : vector<16xi32>
    %sub3A_591 = arith.constant 1 : i32
    %sub3A_592 = vector.broadcast %sub3A_591 : i32 to vector<16xi32>
    %sub3A_593 = arith.subi %add3A_590, %sub3A_592 : vector<16xi32>
    %min3A_594 = arith.constant 128 : i32
    %min3A_595 = vector.broadcast %min3A_594 : i32 to vector<16xi32>
    %min3A_596 = arith.minsi %sub3A_593, %min3A_595 : vector<16xi32>
    %gather3A_597 = tpu.vector_load_idx %arg5[%min3A_596] : memref<144xi32, #tpu.memory_space<vmem>>[vector<16xi32>], vector<16xi32>,
    %le3A_598 = arith.constant 129 : i32
    %le3A_599 = vector.broadcast %le3A_598 : i32 to vector<16xi32>
    %le3A_600 = arith.cmpi sle, %add3A_590, %le3A_599 : vector<16xi32>
    %le3A_601 = arith.cmpi sle, %gather3A_597, %add3A_489 : vector<16xi32>
    %and3A_602 = arith.andi %le3A_600, %le3A_601 : vector<16xi1>
    %select_n3A_603 = arith.select %and3A_602, %add3A_590, %select_n3A_587 : vector<16xi1>, vector<16xi32>
    %add3A_604 = arith.constant 1 : i32
    %add3A_605 = vector.broadcast %add3A_604 : i32 to vector<16xi32>
    %add3A_606 = arith.addi %select_n3A_603, %add3A_605 : vector<16xi32>
    %sub3A_607 = arith.constant 1 : i32
    %sub3A_608 = vector.broadcast %sub3A_607 : i32 to vector<16xi32>
    %sub3A_609 = arith.subi %add3A_606, %sub3A_608 : vector<16xi32>
    %min3A_610 = arith.constant 128 : i32
    %min3A_611 = vector.broadcast %min3A_610 : i32 to vector<16xi32>
    %min3A_612 = arith.minsi %sub3A_609, %min3A_611 : vector<16xi32>
    %gather3A_613 = tpu.vector_load_idx %arg5[%min3A_612] : memref<144xi32, #tpu.memory_space<vmem>>[vector<16xi32>], vector<16xi32>,
    %le3A_614 = arith.constant 129 : i32
    %le3A_615 = vector.broadcast %le3A_614 : i32 to vector<16xi32>
    %le3A_616 = arith.cmpi sle, %add3A_606, %le3A_615 : vector<16xi32>
    %le3A_617 = arith.cmpi sle, %gather3A_613, %add3A_489 : vector<16xi32>
    %and3A_618 = arith.andi %le3A_616, %le3A_617 : vector<16xi1>
    %select_n3A_619 = arith.select %and3A_618, %add3A_606, %select_n3A_603 : vector<16xi1>, vector<16xi32>
    %min3A_620 = arith.constant 128 : i32
    %min3A_621 = vector.broadcast %min3A_620 : i32 to vector<16xi32>
    %min3A_622 = arith.minsi %select_n3A_619, %min3A_621 : vector<16xi32>
    %gather3A_623 = tpu.vector_load_idx %arg6[%min3A_622] : memref<144xi32, #tpu.memory_space<vmem>>[vector<16xi32>], vector<16xi32>,
    %add3A_624 = arith.addi %add3A_489, %gather3A_623 : vector<16xi32>
    %swap3A_625 = arith.constant 48 : index
    %swap3A_626 = tpu.vector_load %arg7[%swap3A_625] {strides = array<i32>} : memref<128xi32, #tpu.memory_space<vmem>>, vector<16xi32>,
    tpu.vector_store %arg7[%swap3A_625], %add3A_624 {strides = array<i32>} : memref<128xi32, #tpu.memory_space<vmem>>, vector<16xi32>,
    %add3A_627 = arith.constant 64 : i32
    %add3A_628 = vector.broadcast %add3A_627 : i32 to vector<16xi32>
    %add3A_629 = arith.addi %iota3A, %add3A_628 : vector<16xi32>
    %broadcast_in_dim3A_630 = arith.constant 0 : i32
    %broadcast_in_dim3A_631 = vector.broadcast %broadcast_in_dim3A_630 : i32 to vector<16xi32>
    %add3A_632 = arith.constant 128 : i32
    %add3A_633 = vector.broadcast %add3A_632 : i32 to vector<16xi32>
    %add3A_634 = arith.addi %broadcast_in_dim3A_631, %add3A_633 : vector<16xi32>
    %sub3A_635 = arith.constant 1 : i32
    %sub3A_636 = vector.broadcast %sub3A_635 : i32 to vector<16xi32>
    %sub3A_637 = arith.subi %add3A_634, %sub3A_636 : vector<16xi32>
    %min3A_638 = arith.constant 128 : i32
    %min3A_639 = vector.broadcast %min3A_638 : i32 to vector<16xi32>
    %min3A_640 = arith.minsi %sub3A_637, %min3A_639 : vector<16xi32>
    %gather3A_641 = tpu.vector_load_idx %arg5[%min3A_640] : memref<144xi32, #tpu.memory_space<vmem>>[vector<16xi32>], vector<16xi32>,
    %le3A_642 = arith.constant 129 : i32
    %le3A_643 = vector.broadcast %le3A_642 : i32 to vector<16xi32>
    %le3A_644 = arith.cmpi sle, %add3A_634, %le3A_643 : vector<16xi32>
    %le3A_645 = arith.cmpi sle, %gather3A_641, %add3A_629 : vector<16xi32>
    %and3A_646 = arith.andi %le3A_644, %le3A_645 : vector<16xi1>
    %select_n3A_647 = arith.select %and3A_646, %add3A_634, %broadcast_in_dim3A_631 : vector<16xi1>, vector<16xi32>
    %add3A_648 = arith.constant 64 : i32
    %add3A_649 = vector.broadcast %add3A_648 : i32 to vector<16xi32>
    %add3A_650 = arith.addi %select_n3A_647, %add3A_649 : vector<16xi32>
    %sub3A_651 = arith.constant 1 : i32
    %sub3A_652 = vector.broadcast %sub3A_651 : i32 to vector<16xi32>
    %sub3A_653 = arith.subi %add3A_650, %sub3A_652 : vector<16xi32>
    %min3A_654 = arith.constant 128 : i32
    %min3A_655 = vector.broadcast %min3A_654 : i32 to vector<16xi32>
    %min3A_656 = arith.minsi %sub3A_653, %min3A_655 : vector<16xi32>
    %gather3A_657 = tpu.vector_load_idx %arg5[%min3A_656] : memref<144xi32, #tpu.memory_space<vmem>>[vector<16xi32>], vector<16xi32>,
    %le3A_658 = arith.constant 129 : i32
    %le3A_659 = vector.broadcast %le3A_658 : i32 to vector<16xi32>
    %le3A_660 = arith.cmpi sle, %add3A_650, %le3A_659 : vector<16xi32>
    %le3A_661 = arith.cmpi sle, %gather3A_657, %add3A_629 : vector<16xi32>
    %and3A_662 = arith.andi %le3A_660, %le3A_661 : vector<16xi1>
    %select_n3A_663 = arith.select %and3A_662, %add3A_650, %select_n3A_647 : vector<16xi1>, vector<16xi32>
    %add3A_664 = arith.constant 32 : i32
    %add3A_665 = vector.broadcast %add3A_664 : i32 to vector<16xi32>
    %add3A_666 = arith.addi %select_n3A_663, %add3A_665 : vector<16xi32>
    %sub3A_667 = arith.constant 1 : i32
    %sub3A_668 = vector.broadcast %sub3A_667 : i32 to vector<16xi32>
    %sub3A_669 = arith.subi %add3A_666, %sub3A_668 : vector<16xi32>
    %min3A_670 = arith.constant 128 : i32
    %min3A_671 = vector.broadcast %min3A_670 : i32 to vector<16xi32>
    %min3A_672 = arith.minsi %sub3A_669, %min3A_671 : vector<16xi32>
    %gather3A_673 = tpu.vector_load_idx %arg5[%min3A_672] : memref<144xi32, #tpu.memory_space<vmem>>[vector<16xi32>], vector<16xi32>,
    %le3A_674 = arith.constant 129 : i32
    %le3A_675 = vector.broadcast %le3A_674 : i32 to vector<16xi32>
    %le3A_676 = arith.cmpi sle, %add3A_666, %le3A_675 : vector<16xi32>
    %le3A_677 = arith.cmpi sle, %gather3A_673, %add3A_629 : vector<16xi32>
    %and3A_678 = arith.andi %le3A_676, %le3A_677 : vector<16xi1>
    %select_n3A_679 = arith.select %and3A_678, %add3A_666, %select_n3A_663 : vector<16xi1>, vector<16xi32>
    %add3A_680 = arith.constant 16 : i32
    %add3A_681 = vector.broadcast %add3A_680 : i32 to vector<16xi32>
    %add3A_682 = arith.addi %select_n3A_679, %add3A_681 : vector<16xi32>
    %sub3A_683 = arith.constant 1 : i32
    %sub3A_684 = vector.broadcast %sub3A_683 : i32 to vector<16xi32>
    %sub3A_685 = arith.subi %add3A_682, %sub3A_684 : vector<16xi32>
    %min3A_686 = arith.constant 128 : i32
    %min3A_687 = vector.broadcast %min3A_686 : i32 to vector<16xi32>
    %min3A_688 = arith.minsi %sub3A_685, %min3A_687 : vector<16xi32>
    %gather3A_689 = tpu.vector_load_idx %arg5[%min3A_688] : memref<144xi32, #tpu.memory_space<vmem>>[vector<16xi32>], vector<16xi32>,
    %le3A_690 = arith.constant 129 : i32
    %le3A_691 = vector.broadcast %le3A_690 : i32 to vector<16xi32>
    %le3A_692 = arith.cmpi sle, %add3A_682, %le3A_691 : vector<16xi32>
    %le3A_693 = arith.cmpi sle, %gather3A_689, %add3A_629 : vector<16xi32>
    %and3A_694 = arith.andi %le3A_692, %le3A_693 : vector<16xi1>
    %select_n3A_695 = arith.select %and3A_694, %add3A_682, %select_n3A_679 : vector<16xi1>, vector<16xi32>
    %add3A_696 = arith.constant 8 : i32
    %add3A_697 = vector.broadcast %add3A_696 : i32 to vector<16xi32>
    %add3A_698 = arith.addi %select_n3A_695, %add3A_697 : vector<16xi32>
    %sub3A_699 = arith.constant 1 : i32
    %sub3A_700 = vector.broadcast %sub3A_699 : i32 to vector<16xi32>
    %sub3A_701 = arith.subi %add3A_698, %sub3A_700 : vector<16xi32>
    %min3A_702 = arith.constant 128 : i32
    %min3A_703 = vector.broadcast %min3A_702 : i32 to vector<16xi32>
    %min3A_704 = arith.minsi %sub3A_701, %min3A_703 : vector<16xi32>
    %gather3A_705 = tpu.vector_load_idx %arg5[%min3A_704] : memref<144xi32, #tpu.memory_space<vmem>>[vector<16xi32>], vector<16xi32>,
    %le3A_706 = arith.constant 129 : i32
    %le3A_707 = vector.broadcast %le3A_706 : i32 to vector<16xi32>
    %le3A_708 = arith.cmpi sle, %add3A_698, %le3A_707 : vector<16xi32>
    %le3A_709 = arith.cmpi sle, %gather3A_705, %add3A_629 : vector<16xi32>
    %and3A_710 = arith.andi %le3A_708, %le3A_709 : vector<16xi1>
    %select_n3A_711 = arith.select %and3A_710, %add3A_698, %select_n3A_695 : vector<16xi1>, vector<16xi32>
    %add3A_712 = arith.constant 4 : i32
    %add3A_713 = vector.broadcast %add3A_712 : i32 to vector<16xi32>
    %add3A_714 = arith.addi %select_n3A_711, %add3A_713 : vector<16xi32>
    %sub3A_715 = arith.constant 1 : i32
    %sub3A_716 = vector.broadcast %sub3A_715 : i32 to vector<16xi32>
    %sub3A_717 = arith.subi %add3A_714, %sub3A_716 : vector<16xi32>
    %min3A_718 = arith.constant 128 : i32
    %min3A_719 = vector.broadcast %min3A_718 : i32 to vector<16xi32>
    %min3A_720 = arith.minsi %sub3A_717, %min3A_719 : vector<16xi32>
    %gather3A_721 = tpu.vector_load_idx %arg5[%min3A_720] : memref<144xi32, #tpu.memory_space<vmem>>[vector<16xi32>], vector<16xi32>,
    %le3A_722 = arith.constant 129 : i32
    %le3A_723 = vector.broadcast %le3A_722 : i32 to vector<16xi32>
    %le3A_724 = arith.cmpi sle, %add3A_714, %le3A_723 : vector<16xi32>
    %le3A_725 = arith.cmpi sle, %gather3A_721, %add3A_629 : vector<16xi32>
    %and3A_726 = arith.andi %le3A_724, %le3A_725 : vector<16xi1>
    %select_n3A_727 = arith.select %and3A_726, %add3A_714, %select_n3A_711 : vector<16xi1>, vector<16xi32>
    %add3A_728 = arith.constant 2 : i32
    %add3A_729 = vector.broadcast %add3A_728 : i32 to vector<16xi32>
    %add3A_730 = arith.addi %select_n3A_727, %add3A_729 : vector<16xi32>
    %sub3A_731 = arith.constant 1 : i32
    %sub3A_732 = vector.broadcast %sub3A_731 : i32 to vector<16xi32>
    %sub3A_733 = arith.subi %add3A_730, %sub3A_732 : vector<16xi32>
    %min3A_734 = arith.constant 128 : i32
    %min3A_735 = vector.broadcast %min3A_734 : i32 to vector<16xi32>
    %min3A_736 = arith.minsi %sub3A_733, %min3A_735 : vector<16xi32>
    %gather3A_737 = tpu.vector_load_idx %arg5[%min3A_736] : memref<144xi32, #tpu.memory_space<vmem>>[vector<16xi32>], vector<16xi32>,
    %le3A_738 = arith.constant 129 : i32
    %le3A_739 = vector.broadcast %le3A_738 : i32 to vector<16xi32>
    %le3A_740 = arith.cmpi sle, %add3A_730, %le3A_739 : vector<16xi32>
    %le3A_741 = arith.cmpi sle, %gather3A_737, %add3A_629 : vector<16xi32>
    %and3A_742 = arith.andi %le3A_740, %le3A_741 : vector<16xi1>
    %select_n3A_743 = arith.select %and3A_742, %add3A_730, %select_n3A_727 : vector<16xi1>, vector<16xi32>
    %add3A_744 = arith.constant 1 : i32
    %add3A_745 = vector.broadcast %add3A_744 : i32 to vector<16xi32>
    %add3A_746 = arith.addi %select_n3A_743, %add3A_745 : vector<16xi32>
    %sub3A_747 = arith.constant 1 : i32
    %sub3A_748 = vector.broadcast %sub3A_747 : i32 to vector<16xi32>
    %sub3A_749 = arith.subi %add3A_746, %sub3A_748 : vector<16xi32>
    %min3A_750 = arith.constant 128 : i32
    %min3A_751 = vector.broadcast %min3A_750 : i32 to vector<16xi32>
    %min3A_752 = arith.minsi %sub3A_749, %min3A_751 : vector<16xi32>
    %gather3A_753 = tpu.vector_load_idx %arg5[%min3A_752] : memref<144xi32, #tpu.memory_space<vmem>>[vector<16xi32>], vector<16xi32>,
    %le3A_754 = arith.constant 129 : i32
    %le3A_755 = vector.broadcast %le3A_754 : i32 to vector<16xi32>
    %le3A_756 = arith.cmpi sle, %add3A_746, %le3A_755 : vector<16xi32>
    %le3A_757 = arith.cmpi sle, %gather3A_753, %add3A_629 : vector<16xi32>
    %and3A_758 = arith.andi %le3A_756, %le3A_757 : vector<16xi1>
    %select_n3A_759 = arith.select %and3A_758, %add3A_746, %select_n3A_743 : vector<16xi1>, vector<16xi32>
    %min3A_760 = arith.constant 128 : i32
    %min3A_761 = vector.broadcast %min3A_760 : i32 to vector<16xi32>
    %min3A_762 = arith.minsi %select_n3A_759, %min3A_761 : vector<16xi32>
    %gather3A_763 = tpu.vector_load_idx %arg6[%min3A_762] : memref<144xi32, #tpu.memory_space<vmem>>[vector<16xi32>], vector<16xi32>,
    %add3A_764 = arith.addi %add3A_629, %gather3A_763 : vector<16xi32>
    %swap3A_765 = arith.constant 64 : index
    %swap3A_766 = tpu.vector_load %arg7[%swap3A_765] {strides = array<i32>} : memref<128xi32, #tpu.memory_space<vmem>>, vector<16xi32>,
    tpu.vector_store %arg7[%swap3A_765], %add3A_764 {strides = array<i32>} : memref<128xi32, #tpu.memory_space<vmem>>, vector<16xi32>,
    %add3A_767 = arith.constant 80 : i32
    %add3A_768 = vector.broadcast %add3A_767 : i32 to vector<16xi32>
    %add3A_769 = arith.addi %iota3A, %add3A_768 : vector<16xi32>
    %broadcast_in_dim3A_770 = arith.constant 0 : i32
    %broadcast_in_dim3A_771 = vector.broadcast %broadcast_in_dim3A_770 : i32 to vector<16xi32>
    %add3A_772 = arith.constant 128 : i32
    %add3A_773 = vector.broadcast %add3A_772 : i32 to vector<16xi32>
    %add3A_774 = arith.addi %broadcast_in_dim3A_771, %add3A_773 : vector<16xi32>
    %sub3A_775 = arith.constant 1 : i32
    %sub3A_776 = vector.broadcast %sub3A_775 : i32 to vector<16xi32>
    %sub3A_777 = arith.subi %add3A_774, %sub3A_776 : vector<16xi32>
    %min3A_778 = arith.constant 128 : i32
    %min3A_779 = vector.broadcast %min3A_778 : i32 to vector<16xi32>
    %min3A_780 = arith.minsi %sub3A_777, %min3A_779 : vector<16xi32>
    %gather3A_781 = tpu.vector_load_idx %arg5[%min3A_780] : memref<144xi32, #tpu.memory_space<vmem>>[vector<16xi32>], vector<16xi32>,
    %le3A_782 = arith.constant 129 : i32
    %le3A_783 = vector.broadcast %le3A_782 : i32 to vector<16xi32>
    %le3A_784 = arith.cmpi sle, %add3A_774, %le3A_783 : vector<16xi32>
    %le3A_785 = arith.cmpi sle, %gather3A_781, %add3A_769 : vector<16xi32>
    %and3A_786 = arith.andi %le3A_784, %le3A_785 : vector<16xi1>
    %select_n3A_787 = arith.select %and3A_786, %add3A_774, %broadcast_in_dim3A_771 : vector<16xi1>, vector<16xi32>
    %add3A_788 = arith.constant 64 : i32
    %add3A_789 = vector.broadcast %add3A_788 : i32 to vector<16xi32>
    %add3A_790 = arith.addi %select_n3A_787, %add3A_789 : vector<16xi32>
    %sub3A_791 = arith.constant 1 : i32
    %sub3A_792 = vector.broadcast %sub3A_791 : i32 to vector<16xi32>
    %sub3A_793 = arith.subi %add3A_790, %sub3A_792 : vector<16xi32>
    %min3A_794 = arith.constant 128 : i32
    %min3A_795 = vector.broadcast %min3A_794 : i32 to vector<16xi32>
    %min3A_796 = arith.minsi %sub3A_793, %min3A_795 : vector<16xi32>
    %gather3A_797 = tpu.vector_load_idx %arg5[%min3A_796] : memref<144xi32, #tpu.memory_space<vmem>>[vector<16xi32>], vector<16xi32>,
    %le3A_798 = arith.constant 129 : i32
    %le3A_799 = vector.broadcast %le3A_798 : i32 to vector<16xi32>
    %le3A_800 = arith.cmpi sle, %add3A_790, %le3A_799 : vector<16xi32>
    %le3A_801 = arith.cmpi sle, %gather3A_797, %add3A_769 : vector<16xi32>
    %and3A_802 = arith.andi %le3A_800, %le3A_801 : vector<16xi1>
    %select_n3A_803 = arith.select %and3A_802, %add3A_790, %select_n3A_787 : vector<16xi1>, vector<16xi32>
    %add3A_804 = arith.constant 32 : i32
    %add3A_805 = vector.broadcast %add3A_804 : i32 to vector<16xi32>
    %add3A_806 = arith.addi %select_n3A_803, %add3A_805 : vector<16xi32>
    %sub3A_807 = arith.constant 1 : i32
    %sub3A_808 = vector.broadcast %sub3A_807 : i32 to vector<16xi32>
    %sub3A_809 = arith.subi %add3A_806, %sub3A_808 : vector<16xi32>
    %min3A_810 = arith.constant 128 : i32
    %min3A_811 = vector.broadcast %min3A_810 : i32 to vector<16xi32>
    %min3A_812 = arith.minsi %sub3A_809, %min3A_811 : vector<16xi32>
    %gather3A_813 = tpu.vector_load_idx %arg5[%min3A_812] : memref<144xi32, #tpu.memory_space<vmem>>[vector<16xi32>], vector<16xi32>,
    %le3A_814 = arith.constant 129 : i32
    %le3A_815 = vector.broadcast %le3A_814 : i32 to vector<16xi32>
    %le3A_816 = arith.cmpi sle, %add3A_806, %le3A_815 : vector<16xi32>
    %le3A_817 = arith.cmpi sle, %gather3A_813, %add3A_769 : vector<16xi32>
    %and3A_818 = arith.andi %le3A_816, %le3A_817 : vector<16xi1>
    %select_n3A_819 = arith.select %and3A_818, %add3A_806, %select_n3A_803 : vector<16xi1>, vector<16xi32>
    %add3A_820 = arith.constant 16 : i32
    %add3A_821 = vector.broadcast %add3A_820 : i32 to vector<16xi32>
    %add3A_822 = arith.addi %select_n3A_819, %add3A_821 : vector<16xi32>
    %sub3A_823 = arith.constant 1 : i32
    %sub3A_824 = vector.broadcast %sub3A_823 : i32 to vector<16xi32>
    %sub3A_825 = arith.subi %add3A_822, %sub3A_824 : vector<16xi32>
    %min3A_826 = arith.constant 128 : i32
    %min3A_827 = vector.broadcast %min3A_826 : i32 to vector<16xi32>
    %min3A_828 = arith.minsi %sub3A_825, %min3A_827 : vector<16xi32>
    %gather3A_829 = tpu.vector_load_idx %arg5[%min3A_828] : memref<144xi32, #tpu.memory_space<vmem>>[vector<16xi32>], vector<16xi32>,
    %le3A_830 = arith.constant 129 : i32
    %le3A_831 = vector.broadcast %le3A_830 : i32 to vector<16xi32>
    %le3A_832 = arith.cmpi sle, %add3A_822, %le3A_831 : vector<16xi32>
    %le3A_833 = arith.cmpi sle, %gather3A_829, %add3A_769 : vector<16xi32>
    %and3A_834 = arith.andi %le3A_832, %le3A_833 : vector<16xi1>
    %select_n3A_835 = arith.select %and3A_834, %add3A_822, %select_n3A_819 : vector<16xi1>, vector<16xi32>
    %add3A_836 = arith.constant 8 : i32
    %add3A_837 = vector.broadcast %add3A_836 : i32 to vector<16xi32>
    %add3A_838 = arith.addi %select_n3A_835, %add3A_837 : vector<16xi32>
    %sub3A_839 = arith.constant 1 : i32
    %sub3A_840 = vector.broadcast %sub3A_839 : i32 to vector<16xi32>
    %sub3A_841 = arith.subi %add3A_838, %sub3A_840 : vector<16xi32>
    %min3A_842 = arith.constant 128 : i32
    %min3A_843 = vector.broadcast %min3A_842 : i32 to vector<16xi32>
    %min3A_844 = arith.minsi %sub3A_841, %min3A_843 : vector<16xi32>
    %gather3A_845 = tpu.vector_load_idx %arg5[%min3A_844] : memref<144xi32, #tpu.memory_space<vmem>>[vector<16xi32>], vector<16xi32>,
    %le3A_846 = arith.constant 129 : i32
    %le3A_847 = vector.broadcast %le3A_846 : i32 to vector<16xi32>
    %le3A_848 = arith.cmpi sle, %add3A_838, %le3A_847 : vector<16xi32>
    %le3A_849 = arith.cmpi sle, %gather3A_845, %add3A_769 : vector<16xi32>
    %and3A_850 = arith.andi %le3A_848, %le3A_849 : vector<16xi1>
    %select_n3A_851 = arith.select %and3A_850, %add3A_838, %select_n3A_835 : vector<16xi1>, vector<16xi32>
    %add3A_852 = arith.constant 4 : i32
    %add3A_853 = vector.broadcast %add3A_852 : i32 to vector<16xi32>
    %add3A_854 = arith.addi %select_n3A_851, %add3A_853 : vector<16xi32>
    %sub3A_855 = arith.constant 1 : i32
    %sub3A_856 = vector.broadcast %sub3A_855 : i32 to vector<16xi32>
    %sub3A_857 = arith.subi %add3A_854, %sub3A_856 : vector<16xi32>
    %min3A_858 = arith.constant 128 : i32
    %min3A_859 = vector.broadcast %min3A_858 : i32 to vector<16xi32>
    %min3A_860 = arith.minsi %sub3A_857, %min3A_859 : vector<16xi32>
    %gather3A_861 = tpu.vector_load_idx %arg5[%min3A_860] : memref<144xi32, #tpu.memory_space<vmem>>[vector<16xi32>], vector<16xi32>,
    %le3A_862 = arith.constant 129 : i32
    %le3A_863 = vector.broadcast %le3A_862 : i32 to vector<16xi32>
    %le3A_864 = arith.cmpi sle, %add3A_854, %le3A_863 : vector<16xi32>
    %le3A_865 = arith.cmpi sle, %gather3A_861, %add3A_769 : vector<16xi32>
    %and3A_866 = arith.andi %le3A_864, %le3A_865 : vector<16xi1>
    %select_n3A_867 = arith.select %and3A_866, %add3A_854, %select_n3A_851 : vector<16xi1>, vector<16xi32>
    %add3A_868 = arith.constant 2 : i32
    %add3A_869 = vector.broadcast %add3A_868 : i32 to vector<16xi32>
    %add3A_870 = arith.addi %select_n3A_867, %add3A_869 : vector<16xi32>
    %sub3A_871 = arith.constant 1 : i32
    %sub3A_872 = vector.broadcast %sub3A_871 : i32 to vector<16xi32>
    %sub3A_873 = arith.subi %add3A_870, %sub3A_872 : vector<16xi32>
    %min3A_874 = arith.constant 128 : i32
    %min3A_875 = vector.broadcast %min3A_874 : i32 to vector<16xi32>
    %min3A_876 = arith.minsi %sub3A_873, %min3A_875 : vector<16xi32>
    %gather3A_877 = tpu.vector_load_idx %arg5[%min3A_876] : memref<144xi32, #tpu.memory_space<vmem>>[vector<16xi32>], vector<16xi32>,
    %le3A_878 = arith.constant 129 : i32
    %le3A_879 = vector.broadcast %le3A_878 : i32 to vector<16xi32>
    %le3A_880 = arith.cmpi sle, %add3A_870, %le3A_879 : vector<16xi32>
    %le3A_881 = arith.cmpi sle, %gather3A_877, %add3A_769 : vector<16xi32>
    %and3A_882 = arith.andi %le3A_880, %le3A_881 : vector<16xi1>
    %select_n3A_883 = arith.select %and3A_882, %add3A_870, %select_n3A_867 : vector<16xi1>, vector<16xi32>
    %add3A_884 = arith.constant 1 : i32
    %add3A_885 = vector.broadcast %add3A_884 : i32 to vector<16xi32>
    %add3A_886 = arith.addi %select_n3A_883, %add3A_885 : vector<16xi32>
    %sub3A_887 = arith.constant 1 : i32
    %sub3A_888 = vector.broadcast %sub3A_887 : i32 to vector<16xi32>
    %sub3A_889 = arith.subi %add3A_886, %sub3A_888 : vector<16xi32>
    %min3A_890 = arith.constant 128 : i32
    %min3A_891 = vector.broadcast %min3A_890 : i32 to vector<16xi32>
    %min3A_892 = arith.minsi %sub3A_889, %min3A_891 : vector<16xi32>
    %gather3A_893 = tpu.vector_load_idx %arg5[%min3A_892] : memref<144xi32, #tpu.memory_space<vmem>>[vector<16xi32>], vector<16xi32>,
    %le3A_894 = arith.constant 129 : i32
    %le3A_895 = vector.broadcast %le3A_894 : i32 to vector<16xi32>
    %le3A_896 = arith.cmpi sle, %add3A_886, %le3A_895 : vector<16xi32>
    %le3A_897 = arith.cmpi sle, %gather3A_893, %add3A_769 : vector<16xi32>
    %and3A_898 = arith.andi %le3A_896, %le3A_897 : vector<16xi1>
    %select_n3A_899 = arith.select %and3A_898, %add3A_886, %select_n3A_883 : vector<16xi1>, vector<16xi32>
    %min3A_900 = arith.constant 128 : i32
    %min3A_901 = vector.broadcast %min3A_900 : i32 to vector<16xi32>
    %min3A_902 = arith.minsi %select_n3A_899, %min3A_901 : vector<16xi32>
    %gather3A_903 = tpu.vector_load_idx %arg6[%min3A_902] : memref<144xi32, #tpu.memory_space<vmem>>[vector<16xi32>], vector<16xi32>,
    %add3A_904 = arith.addi %add3A_769, %gather3A_903 : vector<16xi32>
    %swap3A_905 = arith.constant 80 : index
    %swap3A_906 = tpu.vector_load %arg7[%swap3A_905] {strides = array<i32>} : memref<128xi32, #tpu.memory_space<vmem>>, vector<16xi32>,
    tpu.vector_store %arg7[%swap3A_905], %add3A_904 {strides = array<i32>} : memref<128xi32, #tpu.memory_space<vmem>>, vector<16xi32>,
    %add3A_907 = arith.constant 96 : i32
    %add3A_908 = vector.broadcast %add3A_907 : i32 to vector<16xi32>
    %add3A_909 = arith.addi %iota3A, %add3A_908 : vector<16xi32>
    %broadcast_in_dim3A_910 = arith.constant 0 : i32
    %broadcast_in_dim3A_911 = vector.broadcast %broadcast_in_dim3A_910 : i32 to vector<16xi32>
    %add3A_912 = arith.constant 128 : i32
    %add3A_913 = vector.broadcast %add3A_912 : i32 to vector<16xi32>
    %add3A_914 = arith.addi %broadcast_in_dim3A_911, %add3A_913 : vector<16xi32>
    %sub3A_915 = arith.constant 1 : i32
    %sub3A_916 = vector.broadcast %sub3A_915 : i32 to vector<16xi32>
    %sub3A_917 = arith.subi %add3A_914, %sub3A_916 : vector<16xi32>
    %min3A_918 = arith.constant 128 : i32
    %min3A_919 = vector.broadcast %min3A_918 : i32 to vector<16xi32>
    %min3A_920 = arith.minsi %sub3A_917, %min3A_919 : vector<16xi32>
    %gather3A_921 = tpu.vector_load_idx %arg5[%min3A_920] : memref<144xi32, #tpu.memory_space<vmem>>[vector<16xi32>], vector<16xi32>,
    %le3A_922 = arith.constant 129 : i32
    %le3A_923 = vector.broadcast %le3A_922 : i32 to vector<16xi32>
    %le3A_924 = arith.cmpi sle, %add3A_914, %le3A_923 : vector<16xi32>
    %le3A_925 = arith.cmpi sle, %gather3A_921, %add3A_909 : vector<16xi32>
    %and3A_926 = arith.andi %le3A_924, %le3A_925 : vector<16xi1>
    %select_n3A_927 = arith.select %and3A_926, %add3A_914, %broadcast_in_dim3A_911 : vector<16xi1>, vector<16xi32>
    %add3A_928 = arith.constant 64 : i32
    %add3A_929 = vector.broadcast %add3A_928 : i32 to vector<16xi32>
    %add3A_930 = arith.addi %select_n3A_927, %add3A_929 : vector<16xi32>
    %sub3A_931 = arith.constant 1 : i32
    %sub3A_932 = vector.broadcast %sub3A_931 : i32 to vector<16xi32>
    %sub3A_933 = arith.subi %add3A_930, %sub3A_932 : vector<16xi32>
    %min3A_934 = arith.constant 128 : i32
    %min3A_935 = vector.broadcast %min3A_934 : i32 to vector<16xi32>
    %min3A_936 = arith.minsi %sub3A_933, %min3A_935 : vector<16xi32>
    %gather3A_937 = tpu.vector_load_idx %arg5[%min3A_936] : memref<144xi32, #tpu.memory_space<vmem>>[vector<16xi32>], vector<16xi32>,
    %le3A_938 = arith.constant 129 : i32
    %le3A_939 = vector.broadcast %le3A_938 : i32 to vector<16xi32>
    %le3A_940 = arith.cmpi sle, %add3A_930, %le3A_939 : vector<16xi32>
    %le3A_941 = arith.cmpi sle, %gather3A_937, %add3A_909 : vector<16xi32>
    %and3A_942 = arith.andi %le3A_940, %le3A_941 : vector<16xi1>
    %select_n3A_943 = arith.select %and3A_942, %add3A_930, %select_n3A_927 : vector<16xi1>, vector<16xi32>
    %add3A_944 = arith.constant 32 : i32
    %add3A_945 = vector.broadcast %add3A_944 : i32 to vector<16xi32>
    %add3A_946 = arith.addi %select_n3A_943, %add3A_945 : vector<16xi32>
    %sub3A_947 = arith.constant 1 : i32
    %sub3A_948 = vector.broadcast %sub3A_947 : i32 to vector<16xi32>
    %sub3A_949 = arith.subi %add3A_946, %sub3A_948 : vector<16xi32>
    %min3A_950 = arith.constant 128 : i32
    %min3A_951 = vector.broadcast %min3A_950 : i32 to vector<16xi32>
    %min3A_952 = arith.minsi %sub3A_949, %min3A_951 : vector<16xi32>
    %gather3A_953 = tpu.vector_load_idx %arg5[%min3A_952] : memref<144xi32, #tpu.memory_space<vmem>>[vector<16xi32>], vector<16xi32>,
    %le3A_954 = arith.constant 129 : i32
    %le3A_955 = vector.broadcast %le3A_954 : i32 to vector<16xi32>
    %le3A_956 = arith.cmpi sle, %add3A_946, %le3A_955 : vector<16xi32>
    %le3A_957 = arith.cmpi sle, %gather3A_953, %add3A_909 : vector<16xi32>
    %and3A_958 = arith.andi %le3A_956, %le3A_957 : vector<16xi1>
    %select_n3A_959 = arith.select %and3A_958, %add3A_946, %select_n3A_943 : vector<16xi1>, vector<16xi32>
    %add3A_960 = arith.constant 16 : i32
    %add3A_961 = vector.broadcast %add3A_960 : i32 to vector<16xi32>
    %add3A_962 = arith.addi %select_n3A_959, %add3A_961 : vector<16xi32>
    %sub3A_963 = arith.constant 1 : i32
    %sub3A_964 = vector.broadcast %sub3A_963 : i32 to vector<16xi32>
    %sub3A_965 = arith.subi %add3A_962, %sub3A_964 : vector<16xi32>
    %min3A_966 = arith.constant 128 : i32
    %min3A_967 = vector.broadcast %min3A_966 : i32 to vector<16xi32>
    %min3A_968 = arith.minsi %sub3A_965, %min3A_967 : vector<16xi32>
    %gather3A_969 = tpu.vector_load_idx %arg5[%min3A_968] : memref<144xi32, #tpu.memory_space<vmem>>[vector<16xi32>], vector<16xi32>,
    %le3A_970 = arith.constant 129 : i32
    %le3A_971 = vector.broadcast %le3A_970 : i32 to vector<16xi32>
    %le3A_972 = arith.cmpi sle, %add3A_962, %le3A_971 : vector<16xi32>
    %le3A_973 = arith.cmpi sle, %gather3A_969, %add3A_909 : vector<16xi32>
    %and3A_974 = arith.andi %le3A_972, %le3A_973 : vector<16xi1>
    %select_n3A_975 = arith.select %and3A_974, %add3A_962, %select_n3A_959 : vector<16xi1>, vector<16xi32>
    %add3A_976 = arith.constant 8 : i32
    %add3A_977 = vector.broadcast %add3A_976 : i32 to vector<16xi32>
    %add3A_978 = arith.addi %select_n3A_975, %add3A_977 : vector<16xi32>
    %sub3A_979 = arith.constant 1 : i32
    %sub3A_980 = vector.broadcast %sub3A_979 : i32 to vector<16xi32>
    %sub3A_981 = arith.subi %add3A_978, %sub3A_980 : vector<16xi32>
    %min3A_982 = arith.constant 128 : i32
    %min3A_983 = vector.broadcast %min3A_982 : i32 to vector<16xi32>
    %min3A_984 = arith.minsi %sub3A_981, %min3A_983 : vector<16xi32>
    %gather3A_985 = tpu.vector_load_idx %arg5[%min3A_984] : memref<144xi32, #tpu.memory_space<vmem>>[vector<16xi32>], vector<16xi32>,
    %le3A_986 = arith.constant 129 : i32
    %le3A_987 = vector.broadcast %le3A_986 : i32 to vector<16xi32>
    %le3A_988 = arith.cmpi sle, %add3A_978, %le3A_987 : vector<16xi32>
    %le3A_989 = arith.cmpi sle, %gather3A_985, %add3A_909 : vector<16xi32>
    %and3A_990 = arith.andi %le3A_988, %le3A_989 : vector<16xi1>
    %select_n3A_991 = arith.select %and3A_990, %add3A_978, %select_n3A_975 : vector<16xi1>, vector<16xi32>
    %add3A_992 = arith.constant 4 : i32
    %add3A_993 = vector.broadcast %add3A_992 : i32 to vector<16xi32>
    %add3A_994 = arith.addi %select_n3A_991, %add3A_993 : vector<16xi32>
    %sub3A_995 = arith.constant 1 : i32
    %sub3A_996 = vector.broadcast %sub3A_995 : i32 to vector<16xi32>
    %sub3A_997 = arith.subi %add3A_994, %sub3A_996 : vector<16xi32>
    %min3A_998 = arith.constant 128 : i32
    %min3A_999 = vector.broadcast %min3A_998 : i32 to vector<16xi32>
    %min3A_1000 = arith.minsi %sub3A_997, %min3A_999 : vector<16xi32>
    %gather3A_1001 = tpu.vector_load_idx %arg5[%min3A_1000] : memref<144xi32, #tpu.memory_space<vmem>>[vector<16xi32>], vector<16xi32>,
    %le3A_1002 = arith.constant 129 : i32
    %le3A_1003 = vector.broadcast %le3A_1002 : i32 to vector<16xi32>
    %le3A_1004 = arith.cmpi sle, %add3A_994, %le3A_1003 : vector<16xi32>
    %le3A_1005 = arith.cmpi sle, %gather3A_1001, %add3A_909 : vector<16xi32>
    %and3A_1006 = arith.andi %le3A_1004, %le3A_1005 : vector<16xi1>
    %select_n3A_1007 = arith.select %and3A_1006, %add3A_994, %select_n3A_991 : vector<16xi1>, vector<16xi32>
    %add3A_1008 = arith.constant 2 : i32
    %add3A_1009 = vector.broadcast %add3A_1008 : i32 to vector<16xi32>
    %add3A_1010 = arith.addi %select_n3A_1007, %add3A_1009 : vector<16xi32>
    %sub3A_1011 = arith.constant 1 : i32
    %sub3A_1012 = vector.broadcast %sub3A_1011 : i32 to vector<16xi32>
    %sub3A_1013 = arith.subi %add3A_1010, %sub3A_1012 : vector<16xi32>
    %min3A_1014 = arith.constant 128 : i32
    %min3A_1015 = vector.broadcast %min3A_1014 : i32 to vector<16xi32>
    %min3A_1016 = arith.minsi %sub3A_1013, %min3A_1015 : vector<16xi32>
    %gather3A_1017 = tpu.vector_load_idx %arg5[%min3A_1016] : memref<144xi32, #tpu.memory_space<vmem>>[vector<16xi32>], vector<16xi32>,
    %le3A_1018 = arith.constant 129 : i32
    %le3A_1019 = vector.broadcast %le3A_1018 : i32 to vector<16xi32>
    %le3A_1020 = arith.cmpi sle, %add3A_1010, %le3A_1019 : vector<16xi32>
    %le3A_1021 = arith.cmpi sle, %gather3A_1017, %add3A_909 : vector<16xi32>
    %and3A_1022 = arith.andi %le3A_1020, %le3A_1021 : vector<16xi1>
    %select_n3A_1023 = arith.select %and3A_1022, %add3A_1010, %select_n3A_1007 : vector<16xi1>, vector<16xi32>
    %add3A_1024 = arith.constant 1 : i32
    %add3A_1025 = vector.broadcast %add3A_1024 : i32 to vector<16xi32>
    %add3A_1026 = arith.addi %select_n3A_1023, %add3A_1025 : vector<16xi32>
    %sub3A_1027 = arith.constant 1 : i32
    %sub3A_1028 = vector.broadcast %sub3A_1027 : i32 to vector<16xi32>
    %sub3A_1029 = arith.subi %add3A_1026, %sub3A_1028 : vector<16xi32>
    %min3A_1030 = arith.constant 128 : i32
    %min3A_1031 = vector.broadcast %min3A_1030 : i32 to vector<16xi32>
    %min3A_1032 = arith.minsi %sub3A_1029, %min3A_1031 : vector<16xi32>
    %gather3A_1033 = tpu.vector_load_idx %arg5[%min3A_1032] : memref<144xi32, #tpu.memory_space<vmem>>[vector<16xi32>], vector<16xi32>,
    %le3A_1034 = arith.constant 129 : i32
    %le3A_1035 = vector.broadcast %le3A_1034 : i32 to vector<16xi32>
    %le3A_1036 = arith.cmpi sle, %add3A_1026, %le3A_1035 : vector<16xi32>
    %le3A_1037 = arith.cmpi sle, %gather3A_1033, %add3A_909 : vector<16xi32>
    %and3A_1038 = arith.andi %le3A_1036, %le3A_1037 : vector<16xi1>
    %select_n3A_1039 = arith.select %and3A_1038, %add3A_1026, %select_n3A_1023 : vector<16xi1>, vector<16xi32>
    %min3A_1040 = arith.constant 128 : i32
    %min3A_1041 = vector.broadcast %min3A_1040 : i32 to vector<16xi32>
    %min3A_1042 = arith.minsi %select_n3A_1039, %min3A_1041 : vector<16xi32>
    %gather3A_1043 = tpu.vector_load_idx %arg6[%min3A_1042] : memref<144xi32, #tpu.memory_space<vmem>>[vector<16xi32>], vector<16xi32>,
    %add3A_1044 = arith.addi %add3A_909, %gather3A_1043 : vector<16xi32>
    %swap3A_1045 = arith.constant 96 : index
    %swap3A_1046 = tpu.vector_load %arg7[%swap3A_1045] {strides = array<i32>} : memref<128xi32, #tpu.memory_space<vmem>>, vector<16xi32>,
    tpu.vector_store %arg7[%swap3A_1045], %add3A_1044 {strides = array<i32>} : memref<128xi32, #tpu.memory_space<vmem>>, vector<16xi32>,
    %add3A_1047 = arith.constant 112 : i32
    %add3A_1048 = vector.broadcast %add3A_1047 : i32 to vector<16xi32>
    %add3A_1049 = arith.addi %iota3A, %add3A_1048 : vector<16xi32>
    %broadcast_in_dim3A_1050 = arith.constant 0 : i32
    %broadcast_in_dim3A_1051 = vector.broadcast %broadcast_in_dim3A_1050 : i32 to vector<16xi32>
    %add3A_1052 = arith.constant 128 : i32
    %add3A_1053 = vector.broadcast %add3A_1052 : i32 to vector<16xi32>
    %add3A_1054 = arith.addi %broadcast_in_dim3A_1051, %add3A_1053 : vector<16xi32>
    %sub3A_1055 = arith.constant 1 : i32
    %sub3A_1056 = vector.broadcast %sub3A_1055 : i32 to vector<16xi32>
    %sub3A_1057 = arith.subi %add3A_1054, %sub3A_1056 : vector<16xi32>
    %min3A_1058 = arith.constant 128 : i32
    %min3A_1059 = vector.broadcast %min3A_1058 : i32 to vector<16xi32>
    %min3A_1060 = arith.minsi %sub3A_1057, %min3A_1059 : vector<16xi32>
    %gather3A_1061 = tpu.vector_load_idx %arg5[%min3A_1060] : memref<144xi32, #tpu.memory_space<vmem>>[vector<16xi32>], vector<16xi32>,
    %le3A_1062 = arith.constant 129 : i32
    %le3A_1063 = vector.broadcast %le3A_1062 : i32 to vector<16xi32>
    %le3A_1064 = arith.cmpi sle, %add3A_1054, %le3A_1063 : vector<16xi32>
    %le3A_1065 = arith.cmpi sle, %gather3A_1061, %add3A_1049 : vector<16xi32>
    %and3A_1066 = arith.andi %le3A_1064, %le3A_1065 : vector<16xi1>
    %select_n3A_1067 = arith.select %and3A_1066, %add3A_1054, %broadcast_in_dim3A_1051 : vector<16xi1>, vector<16xi32>
    %add3A_1068 = arith.constant 64 : i32
    %add3A_1069 = vector.broadcast %add3A_1068 : i32 to vector<16xi32>
    %add3A_1070 = arith.addi %select_n3A_1067, %add3A_1069 : vector<16xi32>
    %sub3A_1071 = arith.constant 1 : i32
    %sub3A_1072 = vector.broadcast %sub3A_1071 : i32 to vector<16xi32>
    %sub3A_1073 = arith.subi %add3A_1070, %sub3A_1072 : vector<16xi32>
    %min3A_1074 = arith.constant 128 : i32
    %min3A_1075 = vector.broadcast %min3A_1074 : i32 to vector<16xi32>
    %min3A_1076 = arith.minsi %sub3A_1073, %min3A_1075 : vector<16xi32>
    %gather3A_1077 = tpu.vector_load_idx %arg5[%min3A_1076] : memref<144xi32, #tpu.memory_space<vmem>>[vector<16xi32>], vector<16xi32>,
    %le3A_1078 = arith.constant 129 : i32
    %le3A_1079 = vector.broadcast %le3A_1078 : i32 to vector<16xi32>
    %le3A_1080 = arith.cmpi sle, %add3A_1070, %le3A_1079 : vector<16xi32>
    %le3A_1081 = arith.cmpi sle, %gather3A_1077, %add3A_1049 : vector<16xi32>
    %and3A_1082 = arith.andi %le3A_1080, %le3A_1081 : vector<16xi1>
    %select_n3A_1083 = arith.select %and3A_1082, %add3A_1070, %select_n3A_1067 : vector<16xi1>, vector<16xi32>
    %add3A_1084 = arith.constant 32 : i32
    %add3A_1085 = vector.broadcast %add3A_1084 : i32 to vector<16xi32>
    %add3A_1086 = arith.addi %select_n3A_1083, %add3A_1085 : vector<16xi32>
    %sub3A_1087 = arith.constant 1 : i32
    %sub3A_1088 = vector.broadcast %sub3A_1087 : i32 to vector<16xi32>
    %sub3A_1089 = arith.subi %add3A_1086, %sub3A_1088 : vector<16xi32>
    %min3A_1090 = arith.constant 128 : i32
    %min3A_1091 = vector.broadcast %min3A_1090 : i32 to vector<16xi32>
    %min3A_1092 = arith.minsi %sub3A_1089, %min3A_1091 : vector<16xi32>
    %gather3A_1093 = tpu.vector_load_idx %arg5[%min3A_1092] : memref<144xi32, #tpu.memory_space<vmem>>[vector<16xi32>], vector<16xi32>,
    %le3A_1094 = arith.constant 129 : i32
    %le3A_1095 = vector.broadcast %le3A_1094 : i32 to vector<16xi32>
    %le3A_1096 = arith.cmpi sle, %add3A_1086, %le3A_1095 : vector<16xi32>
    %le3A_1097 = arith.cmpi sle, %gather3A_1093, %add3A_1049 : vector<16xi32>
    %and3A_1098 = arith.andi %le3A_1096, %le3A_1097 : vector<16xi1>
    %select_n3A_1099 = arith.select %and3A_1098, %add3A_1086, %select_n3A_1083 : vector<16xi1>, vector<16xi32>
    %add3A_1100 = arith.constant 16 : i32
    %add3A_1101 = vector.broadcast %add3A_1100 : i32 to vector<16xi32>
    %add3A_1102 = arith.addi %select_n3A_1099, %add3A_1101 : vector<16xi32>
    %sub3A_1103 = arith.constant 1 : i32
    %sub3A_1104 = vector.broadcast %sub3A_1103 : i32 to vector<16xi32>
    %sub3A_1105 = arith.subi %add3A_1102, %sub3A_1104 : vector<16xi32>
    %min3A_1106 = arith.constant 128 : i32
    %min3A_1107 = vector.broadcast %min3A_1106 : i32 to vector<16xi32>
    %min3A_1108 = arith.minsi %sub3A_1105, %min3A_1107 : vector<16xi32>
    %gather3A_1109 = tpu.vector_load_idx %arg5[%min3A_1108] : memref<144xi32, #tpu.memory_space<vmem>>[vector<16xi32>], vector<16xi32>,
    %le3A_1110 = arith.constant 129 : i32
    %le3A_1111 = vector.broadcast %le3A_1110 : i32 to vector<16xi32>
    %le3A_1112 = arith.cmpi sle, %add3A_1102, %le3A_1111 : vector<16xi32>
    %le3A_1113 = arith.cmpi sle, %gather3A_1109, %add3A_1049 : vector<16xi32>
    %and3A_1114 = arith.andi %le3A_1112, %le3A_1113 : vector<16xi1>
    %select_n3A_1115 = arith.select %and3A_1114, %add3A_1102, %select_n3A_1099 : vector<16xi1>, vector<16xi32>
    %add3A_1116 = arith.constant 8 : i32
    %add3A_1117 = vector.broadcast %add3A_1116 : i32 to vector<16xi32>
    %add3A_1118 = arith.addi %select_n3A_1115, %add3A_1117 : vector<16xi32>
    %sub3A_1119 = arith.constant 1 : i32
    %sub3A_1120 = vector.broadcast %sub3A_1119 : i32 to vector<16xi32>
    %sub3A_1121 = arith.subi %add3A_1118, %sub3A_1120 : vector<16xi32>
    %min3A_1122 = arith.constant 128 : i32
    %min3A_1123 = vector.broadcast %min3A_1122 : i32 to vector<16xi32>
    %min3A_1124 = arith.minsi %sub3A_1121, %min3A_1123 : vector<16xi32>
    %gather3A_1125 = tpu.vector_load_idx %arg5[%min3A_1124] : memref<144xi32, #tpu.memory_space<vmem>>[vector<16xi32>], vector<16xi32>,
    %le3A_1126 = arith.constant 129 : i32
    %le3A_1127 = vector.broadcast %le3A_1126 : i32 to vector<16xi32>
    %le3A_1128 = arith.cmpi sle, %add3A_1118, %le3A_1127 : vector<16xi32>
    %le3A_1129 = arith.cmpi sle, %gather3A_1125, %add3A_1049 : vector<16xi32>
    %and3A_1130 = arith.andi %le3A_1128, %le3A_1129 : vector<16xi1>
    %select_n3A_1131 = arith.select %and3A_1130, %add3A_1118, %select_n3A_1115 : vector<16xi1>, vector<16xi32>
    %add3A_1132 = arith.constant 4 : i32
    %add3A_1133 = vector.broadcast %add3A_1132 : i32 to vector<16xi32>
    %add3A_1134 = arith.addi %select_n3A_1131, %add3A_1133 : vector<16xi32>
    %sub3A_1135 = arith.constant 1 : i32
    %sub3A_1136 = vector.broadcast %sub3A_1135 : i32 to vector<16xi32>
    %sub3A_1137 = arith.subi %add3A_1134, %sub3A_1136 : vector<16xi32>
    %min3A_1138 = arith.constant 128 : i32
    %min3A_1139 = vector.broadcast %min3A_1138 : i32 to vector<16xi32>
    %min3A_1140 = arith.minsi %sub3A_1137, %min3A_1139 : vector<16xi32>
    %gather3A_1141 = tpu.vector_load_idx %arg5[%min3A_1140] : memref<144xi32, #tpu.memory_space<vmem>>[vector<16xi32>], vector<16xi32>,
    %le3A_1142 = arith.constant 129 : i32
    %le3A_1143 = vector.broadcast %le3A_1142 : i32 to vector<16xi32>
    %le3A_1144 = arith.cmpi sle, %add3A_1134, %le3A_1143 : vector<16xi32>
    %le3A_1145 = arith.cmpi sle, %gather3A_1141, %add3A_1049 : vector<16xi32>
    %and3A_1146 = arith.andi %le3A_1144, %le3A_1145 : vector<16xi1>
    %select_n3A_1147 = arith.select %and3A_1146, %add3A_1134, %select_n3A_1131 : vector<16xi1>, vector<16xi32>
    %add3A_1148 = arith.constant 2 : i32
    %add3A_1149 = vector.broadcast %add3A_1148 : i32 to vector<16xi32>
    %add3A_1150 = arith.addi %select_n3A_1147, %add3A_1149 : vector<16xi32>
    %sub3A_1151 = arith.constant 1 : i32
    %sub3A_1152 = vector.broadcast %sub3A_1151 : i32 to vector<16xi32>
    %sub3A_1153 = arith.subi %add3A_1150, %sub3A_1152 : vector<16xi32>
    %min3A_1154 = arith.constant 128 : i32
    %min3A_1155 = vector.broadcast %min3A_1154 : i32 to vector<16xi32>
    %min3A_1156 = arith.minsi %sub3A_1153, %min3A_1155 : vector<16xi32>
    %gather3A_1157 = tpu.vector_load_idx %arg5[%min3A_1156] : memref<144xi32, #tpu.memory_space<vmem>>[vector<16xi32>], vector<16xi32>,
    %le3A_1158 = arith.constant 129 : i32
    %le3A_1159 = vector.broadcast %le3A_1158 : i32 to vector<16xi32>
    %le3A_1160 = arith.cmpi sle, %add3A_1150, %le3A_1159 : vector<16xi32>
    %le3A_1161 = arith.cmpi sle, %gather3A_1157, %add3A_1049 : vector<16xi32>
    %and3A_1162 = arith.andi %le3A_1160, %le3A_1161 : vector<16xi1>
    %select_n3A_1163 = arith.select %and3A_1162, %add3A_1150, %select_n3A_1147 : vector<16xi1>, vector<16xi32>
    %add3A_1164 = arith.constant 1 : i32
    %add3A_1165 = vector.broadcast %add3A_1164 : i32 to vector<16xi32>
    %add3A_1166 = arith.addi %select_n3A_1163, %add3A_1165 : vector<16xi32>
    %sub3A_1167 = arith.constant 1 : i32
    %sub3A_1168 = vector.broadcast %sub3A_1167 : i32 to vector<16xi32>
    %sub3A_1169 = arith.subi %add3A_1166, %sub3A_1168 : vector<16xi32>
    %min3A_1170 = arith.constant 128 : i32
    %min3A_1171 = vector.broadcast %min3A_1170 : i32 to vector<16xi32>
    %min3A_1172 = arith.minsi %sub3A_1169, %min3A_1171 : vector<16xi32>
    %gather3A_1173 = tpu.vector_load_idx %arg5[%min3A_1172] : memref<144xi32, #tpu.memory_space<vmem>>[vector<16xi32>], vector<16xi32>,
    %le3A_1174 = arith.constant 129 : i32
    %le3A_1175 = vector.broadcast %le3A_1174 : i32 to vector<16xi32>
    %le3A_1176 = arith.cmpi sle, %add3A_1166, %le3A_1175 : vector<16xi32>
    %le3A_1177 = arith.cmpi sle, %gather3A_1173, %add3A_1049 : vector<16xi32>
    %and3A_1178 = arith.andi %le3A_1176, %le3A_1177 : vector<16xi1>
    %select_n3A_1179 = arith.select %and3A_1178, %add3A_1166, %select_n3A_1163 : vector<16xi1>, vector<16xi32>
    %min3A_1180 = arith.constant 128 : i32
    %min3A_1181 = vector.broadcast %min3A_1180 : i32 to vector<16xi32>
    %min3A_1182 = arith.minsi %select_n3A_1179, %min3A_1181 : vector<16xi32>
    %gather3A_1183 = tpu.vector_load_idx %arg6[%min3A_1182] : memref<144xi32, #tpu.memory_space<vmem>>[vector<16xi32>], vector<16xi32>,
    %add3A_1184 = arith.addi %add3A_1049, %gather3A_1183 : vector<16xi32>
    %swap3A_1185 = arith.constant 112 : index
    %swap3A_1186 = tpu.vector_load %arg7[%swap3A_1185] {strides = array<i32>} : memref<128xi32, #tpu.memory_space<vmem>>, vector<16xi32>,
    tpu.vector_store %arg7[%swap3A_1185], %add3A_1184 {strides = array<i32>} : memref<128xi32, #tpu.memory_space<vmem>>, vector<16xi32>,
    "tpu.region"() ({
      %run_scoped3A = tpu.sem_alloc : memref<!tpu.dma_semaphore, #tpu.memory_space<semaphore_mem>>
      tpu.enqueue_dma source(%arg7 : memref<128xi32, #tpu.memory_space<vmem>>) target(%arg4 : memref<128xi32, #tpu.memory_space<hbm>>) target_semaphore(%run_scoped3A : memref<!tpu.dma_semaphore, #tpu.memory_space<semaphore_mem>>)
      tpu.wait_dma2 semaphore(%run_scoped3A : memref<!tpu.dma_semaphore, #tpu.memory_space<semaphore_mem>>) src(%arg7 : memref<128xi32, #tpu.memory_space<vmem>>) dst(%arg4 : memref<128xi32, #tpu.memory_space<hbm>>)
      tpu.yield
    }) : () -> ()
    return
  }
}

</mosaic_0001>

<sc_bundles>
// kernel: _logits_indices_sc.3.cloned.1.call-start
scs
__scs_entry_jumppad:
0x0: {  	(pc) =	sbr.rel $0x88, $3  }
0x1: {  	(tag) =	ssettag $0x0;
	lr =	simm.s32 $0x1  }
0x2: {  	[smem:$0x3F9F] =	sst lr;
	_ =	strace $0xD0000000  }
0x3: {  	_ = 	snop  }
0x4: {  	_ = 	snop  }
0x5: {  	_ = 	snop  }
0x6: {  	_ = 	snop  }
0x7: {  	_ = 	snop  }
__scs_overlays_trampoline_lowered:
0x8: {  	[smem:$0x3FAE] =	sst s0  }
0x9: {  	[smem:$0x3FAF] =	sst s1  }
0xa: {  	[smem:$0x3FB0] =	sst s2  }
0xb: {  	[smem:$0x3FB1] =	sst s3  }
0xc: {  	[smem:$0x3FB2] =	sst s4  }
0xd: {  	[smem:$0x3FB3] =	sst s5  }
0xe: {  	[smem:$0x3FB4] =	sst s6  }
0xf: {  	[smem:$0x3FB5] =	sst s7  }
0x10: {  	[smem:$0x3FB6] =	sst s8  }
0x11: {  	[smem:$0x3FB7] =	sst s9;
	s0 =	simm.s32 @!p0 $0x0  }
0x12: {  	s1 =	sld [smem:$0x3F9D];
	s0 =	simm.s32 @p0 $0x1  }
0x13: {  	[smem:$0x3FB8] =	sst s0;
	s0 =	simm.s32 @!p1 $0x0  }
0x14: {  	s2 =	sld [smem:$0x3F9C];
	s0 =	simm.s32 @p1 $0x1  }
0x15: {  	[smem:$0x3FB9] =	sst s0;
	s0 =	simm.s32 @!p2 $0x0  }
0x16: {  	s3 =	sld [smem:$0x3FDB];
	s0 =	simm.s32 @p2 $0x1  }
0x17: {  	s4 =	simm.s32 $0x1BF5;
	[smem:$0x3FBB] =	sst s0  }
0x18: {  	s0 =	sld [smem:$0x3F9E];
	_ =	swait.ge [sflag:s4], $0x0  }
0x19: {  	s7 =	sld [smem:$0x3F9F]  }
0x1a: {  	s8 =	sadd.s32 $0xFFFFE003, lr  }
0x1b: {  	s9 =	sadd.s32 $0xFFFFFEF7, lr;
	s5 =	simm.s32 $0xFFFFFFFF;
	p2 =	slt.u32 s8, $0xFFFFF086  }
0x1c: {  	p1 =	slt.u32 s9, $0xF7A;
	s5 =	simm.s32 @!p2 $0x0  }
0x1d: {  	s5 =	simm.s32 @p1 $0x1;
	p0 =	seq.s32 s7, s2  }
0x1e: {  	s7 =	smul.u32 @!p0 $0xF7A, s2;
	p2 =	seq.s32 @!p0 s5, $0x0  }
0x1f: {  	s9 =	smul.u32 $0xF7A, s1;
	s8 =	simm.s32 @!p0 $0x1BF5;
	p2 =	por !p2, p0  }
0x20: {  	[sflag:s8] =	ssyncset.s32 @!p0 $0xFFFFF086;
	s6 =	sadd.s32 @!p0 s3, s7;
	s7 =	simm.s32 @!p0 $0x108  }
0x21: {  	s3 =	sadd.s32 s3, s9;
	s6 =	sadd.s32 @!p0 $0x88, s6;
	s7 =	simm.s32 @p2 $0x1082  }
0x22: {  	[simem:s7], [sflag:s8] =	dma.local @!p0 [hbm:s6], $0xF7A  }
0x23: {  	s9 =	sor.u32 $0xD0000000, s2;
	s6 =	simm.s32 $0x108;
	_ =	swait.ge @!p0 [sflag:s8], $0x0  }
0x24: {  	s3 =	sadd.s32 $0x88, s3;
	s6 =	simm.s32 @!p1 $0x1082;
	[sflag:s4] =	ssyncset.s32 $0xFFFFF086  }
0x25: {  	[simem:s6], [sflag:s4] =	dma.local [hbm:s3], $0xF7A  }
0x26: {  	[smem:$0x3F9F] =	sst s1;
	(tag) =	ssettag s2;
	_ =	strace s9  }
0x27: {  	s1 =	sld [smem:$0x3FAF]  }
0x28: {  	s2 =	sld [smem:$0x3FB0]  }
0x29: {  	s4 =	sld [smem:$0x3FB2]  }
0x2a: {  	p0 =	seq.s32 s5, $0x0;
	s5 =	sld [smem:$0x3FB3]  }
0x2b: {  	s6 =	sld [smem:$0x3FB4]  }
0x2c: {  	s7 =	sld [smem:$0x3FB5]  }
0x2d: {  	s3 =	simm.s32 $0x108;
	s8 =	sld [smem:$0x3FB6]  }
0x2e: {  	s3 =	simm.s32 @!p0 $0x1082;
	s9 =	sld [smem:$0x3FB7]  }
0x2f: {  	lr =	sadd.s32 s0, s3;
	s0 =	sld [smem:$0x3FAE]  }
0x30: {  	s3 =	sld [smem:$0x3FB1]  }
0x31: {  	[smem:$0x3FBA] =	sst s10  }
0x32: {  	s10 =	sld [smem:$0x3FB8];
	_ =	sdelay $0x3  }
0x33: {  	p0 =	seq.s32 s10, $0x1;
	s10 =	sld [smem:$0x3FBA];
	_ =	sdelay $0x3  }
0x34: {  	[smem:$0x3FBA] =	sst s10  }
0x35: {  	s10 =	sld [smem:$0x3FB9];
	_ =	sdelay $0x3  }
0x36: {  	p1 =	seq.s32 s10, $0x1;
	s10 =	sld [smem:$0x3FBA];
	_ =	sdelay $0x3  }
0x37: {  	[smem:$0x3FBA] =	sst s10  }
0x38: {  	s10 =	sld [smem:$0x3FBB]  }
0x39: {  	_ = 	snop;
	(pc) =	sbr.ind lr, $3  }
0x3a: {  	_ = 	snop  }
0x3b: {  	_ = 	snop  }
0x3c: {  	p2 =	seq.s32 s10, $0x1;
	s10 =	sld [smem:$0x3FBA]  }
0x3d: {  	_ =	shalt  }
0x3e: {  	_ =	shalt  }
0x3f: {  	_ =	shalt  }
0x40: {  	_ =	shalt  }
0x41: {  	_ =	shalt  }
0x42: {  	_ =	shalt  }
0x43: {  	_ =	shalt  }
0x44: {  	_ =	shalt  }
0x45: {  	_ =	shalt  }
0x46: {  	_ =	shalt  }
0x47: {  	_ =	shalt  }
0x48: {  	_ =	shalt  }
0x49: {  	_ =	shalt  }
0x4a: {  	_ =	shalt  }
0x4b: {  	_ =	shalt  }
0x4c: {  	_ =	shalt  }
0x4d: {  	_ =	shalt  }
0x4e: {  	_ =	shalt  }
0x4f: {  	_ =	shalt  }
0x50: {  	_ =	shalt  }
0x51: {  	_ =	shalt  }
0x52: {  	_ =	shalt  }
0x53: {  	_ =	shalt  }
0x54: {  	_ =	shalt  }
0x55: {  	_ =	shalt  }
0x56: {  	_ =	shalt  }
0x57: {  	_ =	shalt  }
0x58: {  	_ =	shalt  }
0x59: {  	_ =	shalt  }
0x5a: {  	_ =	shalt  }
0x5b: {  	_ =	shalt  }
0x5c: {  	_ =	shalt  }
0x5d: {  	_ =	shalt  }
0x5e: {  	_ =	shalt  }
0x5f: {  	_ =	shalt  }
0x60: {  	_ =	shalt  }
0x61: {  	_ =	shalt  }
0x62: {  	_ =	shalt  }
0x63: {  	_ =	shalt  }
0x64: {  	_ =	shalt  }
0x65: {  	_ =	shalt  }
0x66: {  	_ =	shalt  }
0x67: {  	_ =	shalt  }
0x68: {  	_ =	shalt  }
0x69: {  	_ =	shalt  }
0x6a: {  	_ =	shalt  }
0x6b: {  	_ =	shalt  }
0x6c: {  	_ =	shalt  }
0x6d: {  	_ =	shalt  }
0x6e: {  	_ =	shalt  }
0x6f: {  	_ =	shalt  }
0x70: {  	_ =	shalt  }
0x71: {  	_ =	shalt  }
0x72: {  	_ =	shalt  }
0x73: {  	_ =	shalt  }
0x74: {  	_ =	shalt  }
0x75: {  	_ =	shalt  }
0x76: {  	_ =	shalt  }
0x77: {  	_ =	shalt  }
0x78: {  	_ =	shalt  }
0x79: {  	_ =	shalt  }
0x7a: {  	_ =	shalt  }
0x7b: {  	_ =	shalt  }
0x7c: {  	_ =	shalt  }
0x7d: {  	_ =	shalt  }
0x7e: {  	_ =	shalt  }
0x7f: {  	_ =	shalt  }
0x80: {  	_ =	shalt  }
0x81: {  	_ =	shalt  }
0x82: {  	_ =	shalt  }
0x83: {  	_ =	shalt  }
0x84: {  	_ =	shalt  }
0x85: {  	_ =	shalt  }
0x86: {  	_ =	shalt  }
0x87: {  	_ =	shalt  }
.Lfunc_end0:
.L_simem_size_0:
called_computation_lowered:
.L_overlay_start_0:
0x88: {  	s0 =	sld [smem:$0x3FD9]  }
0x89: {  	s1 =	sld [smem:$0x3FFE];
	_ =	sdelay $0x3  }
0x8a: {  	s0 =	sadd.s32 s1, s0  }
0x8b: {  	[smem:$0x3FC6] =	sst s0  }
0x8c: {  	_ = 	snop  }
0x8d: {  	s0 =	sld [smem:$0x3FC9]  }
0x8e: {  	s17 =	sld [smem:$0x3FC8]  }
0x8f: {  	s2 =	sld [smem:$0x3FD0];
	(tm) =	ssettm $0x1  }
0x90: {  	s3 =	sld [smem:$0x3FFB];
	_ =	sdelay $0x3  }
0x91: {  	_ =	strace s3  }
0x92: {  	s3 =	sld [smem:$0x3FFC];
	_ =	sdelay $0x3  }
0x93: {  	_ =	strace s3  }
0x94: {  	s3 =	sld [smem:$0x3FFD];
	_ =	sdelay $0x3  }
0x95: {  	_ =	strace s3  }
0x96: {  	_ =	strace $0x8FFFFFFF  }
0x97: {  	s18 =	sld [smem:$0x3FDB];
	_ =	sdelay $0x1  }
0x98: {  	s4 =	simm.s32 $_scs_section_size  }
0x99: {  	s5 =	simm.s32 $_size__tile_overlayer_lowered;
	s6 =	simm.s32 $_tile_overlayer_lowered  }
0x9a: {  	s21 =	simm.s32 $0x1BFF;
	s20 =	sshll.u32 s6, $0x1;
	s3 =	sadd.s32 s4, s18  }
0x9b: {  	s7 =	simm.s32 $0x0;
	s19 =	sshll.u32 s5, $0x1;
	s5 =	sadd.s32 s20, s3  }
0x9c: {  	[timem:s7], [sflag:s21] =	dma.local [hbm:s5], s19  }
0x9d: {  	_ =	swait.ge [sflag:s21], s19  }
0x9e: {  	s4 =	ssub.s32 $0x0, s19;
	[sflag:s21] =	ssyncset.done $0x0  }
0x9f: {  	[sflag:s21] =	ssyncadd.s32 s4;
	_ =	sdelay $0x1  }
0xa0: {  	s22 =	simm.s32 $0x1B8B  }
0xa1: {  	_ =	swait.ge [sflag:s22], $0x1  }
0xa2: {  	[sflag:s22] =	ssyncset.done $0x0  }
0xa3: {  	s23 =	simm.s32 $0x1B8E;
	[sflag:s22] =	ssyncadd.s32 $0xFFFFFFFF  }
0xa4: {  	s24 =	simm.s32 $execute0_lowered;
	[smem:$0x3FD2] =	sst s23  }
0xa5: {  	s4 =	sshll.u32 s24, $0x1;
	_ =	strace $0x80000046;
	[dreg:$0x1] =	wrdreg $0xFFFFFFFF  }
0xa6: {  	s25 =	simm.s32 $_size_execute0_lowered;
	s3 =	sadd.s32 s3, s4;
	[dreg:$0x0] =	wrdreg $0x0  }
0xa7: {  	s4 =	sshll.u32 s25, $0x1;
	[dreg:$0x2] =	wrdreg s3  }
0xa8: {  	[dreg:$0x3] =	wrdreg s4  }
0xa9: {  	[dreg:$0x4] =	wrdreg $0xC0  }
0xaa: {  	_ =	task [dreg:s7], $0x5FFFF  }
0xab: {  	[dreg:$0x1] =	wrdreg $0xFFFFFFFF  }
0xac: {  	[dreg:$0x0] =	wrdreg $0x60  }
0xad: {  	[dreg:$0x2] =	wrdreg s0  }
0xae: {  	[dreg:$0x3] =	wrdreg s17  }
0xaf: {  	[dreg:$0x4] =	wrdreg s2  }
0xb0: {  	[dreg:$0x5] =	wrdreg $0x9  }
0xb1: {  	_ =	task.clear_ibuf [dreg:s7], $0x6FFFF;
	_ =	strace $0x90000046  }
0xb2: {  	s26 =	simm.s32 $0x9;
	_ =	strace $0x80000048  }
0xb3: {  	_ =	swait.ge [sflag:s26], $0x1  }
0xb4: {  	[sflag:s26] =	ssyncadd.s32 $0xFFFFFFFF  }
0xb5: {  	_ =	strace $0x90000048  }
0xb6: {  	_ =	sfence  }
0xb7: {  	s28 =	sld [smem:$0x0];
	_ =	sdelay $0x1  }
0xb8: {  	s29 =	srdreg.scid  }
0xb9: {  	s30 =	sshll.u32 s29, $0xD;
	s31 =	sshrl.u32 s29, $0x2  }
0xba: {  	s1 =	sand.u32 $0x1, s29;
	s2 =	sand.u32 $0x4000, s30;
	s0 =	sadd.s32 s31, s28  }
0xbb: {  	s1 =	sor.u32 s2, s1;
	s0 =	sshll.u32 s0, $0x11  }
0xbc: {  	s0 =	sor.u32 s0, s1  }
0xbd: {  	s0 =	sadd.s32 $0x8F2B, s0  }
0xbe: {  	[sflag:s0] =	ssyncadd.remote.s32 $0x1  }
0xbf: {  	_ =	sfence.sel $0xFFFF  }
0xc0: {  	[dreg:$0x0] =	wrdreg $0xFFFFFFFF;
	(pc) =	sbr.abs _section_cstart, $3  }
0xc1: {  	[dreg:$0x1] =	wrdreg $0xFFFFFFFF  }
0xc2: {  	_ =	task.clear_ibuf [dreg:s7], $0x2FFFF;
	_ =	strace $0x9FFFFFFF  }
0xc3: {  	(tm) =	ssettm $0x7FFFFFFF  }
tec
execute0_lowered:
.L_overlay_start_1:
0x0: {  	(tag) =	ssettag $0x1  }
0x1: {  	s2 =	stileid.u32  }
0x2: {  	p0 =	sne.s32 s2, $0x0  }
.Ltmp0:
0x3: {  	_ = 	snop;
	(pc) =	sbr.rel @p0 .LBB2_2-.Ltmp0, $4  }
0x4: {  	s3 =	rddreg [dreg:$0x0]  }
0x5: {  	s4 =	rddreg [dreg:$0x1]  }
0x6: {  	s1 =	rddreg [dreg:$0x2]  }
0x7: {  	s0 =	rddreg [dreg:$0x3];
	_ =	strace $0x80000047  }
0x8: {  	s2 =	simm.s32 $0x0  }
0x9: {  	[tilespmem:s2], [sflag:$0x1] =	stream.linear.gather [hbm4b:s3+s2], $0x81, $0x38;
	[tilespmem:$0x280] =	vst v63  }
0xa: {  	s28 =	simm.s32 $0x100;
	s29 =	simm.s32 $0x1  }
0xb: {  	[tilespmem:s28], [sflag:$0x1] =	stream.linear.gather [hbm4b:s4+s2], $0x81, $0x38;
	[tilespmem:$0x280] =	vst v63  }
0xc: {  	_ =	swait.ge [sflag:s29], $0x81  }
0xd: {  	[sflag:s29] =	ssyncset.done $0x0  }
0xe: {  	[sflag:s29] =	ssyncadd.s32 $0xFFFFFF7F  }
0xf: {  	_ =	swait.ge [sflag:s29], $0x81  }
0x10: {  	[sflag:s29] =	ssyncset.done $0x0  }
0x11: {  	[sflag:s29] =	ssyncadd.s32 $0xFFFFFF7F  }
0x12: {  	v0 =	vld [tilespmem:$0x100]  }
0x13: {  	v1 =	vld [tilespmem:$0x0]  }
0x14: {  	v2 =	vld [tilespmem:$0x110]  }
0x15: {  	v3 =	vld [tilespmem:$0x10]  }
0x16: {  	v4 =	vld [tilespmem:$0x120]  }
0x17: {  	v5 =	vld [tilespmem:$0x20]  }
0x18: {  	v6 =	vld [tilespmem:$0x130]  }
0x19: {  	v7 =	vld [tilespmem:$0x30]  }
0x1a: {  	v8 =	vld [tilespmem:$0x140]  }
0x1b: {  	v9 =	vld [tilespmem:$0x40]  }
0x1c: {  	v10 =	vld [tilespmem:$0x150]  }
0x1d: {  	v11 =	vld [tilespmem:$0x50]  }
0x1e: {  	v12 =	vld [tilespmem:$0x160]  }
0x1f: {  	v13 =	vld [tilespmem:$0x60]  }
0x20: {  	v21 =	vld [tilespmem:$0x170];
	v0 =	vsub.s32 v0, v1  }
0x21: {  	v23 =	vld [tilespmem:$0x70];
	v22 =	vsub.s32 v2, v3;
	[tilespmem:$0x100] =	vst v0  }
0x22: {  	v25 =	vld [tilespmem:$0x180];
	v24 =	vsub.s32 v4, v5;
	[tilespmem:$0x110] =	vst v22  }
0x23: {  	v27 =	vld [tilespmem:$0x80];
	v26 =	vsub.s32 v6, v7;
	[tilespmem:$0x120] =	vst v24  }
0x24: {  	v28 =	vsub.s32 v8, v9;
	[tilespmem:$0x130] =	vst v26  }
0x25: {  	v29 =	vsub.s32 v10, v11;
	v2 =	vimm.s32 $0x7F;
	[tilespmem:$0x140] =	vst v28  }
0x26: {  	v30 =	vsub.s32 v12, v13;
	[tilespmem:$0x150] =	vst v29  }
0x27: {  	v31 =	vsub.s32 v21, v23;
	[tilespmem:$0x160] =	vst v30  }
0x28: {  	v32 =	vsub.s32 v25, v27;
	[tilespmem:$0x170] =	vst v31  }
0x29: {  	[tilespmem:$0x180] =	vst v32  }
0x2a: {  	v33 =	vld.idx.msk [tilespmem:v2+s2+$0x0], $0xffff;
	_ =	sdelay $0x2  }
0x2b: {  	v0 =	vlaneseq.u32  }
0x2c: {  	v34 =	vadd.s32 $0x1, v0  }
0x2d: {  	v1 =	vimm.s32 $0x0;
	vm0 =	vlt.s32 v33, v34  }
0x2e: {  	v35 =	vsel vm0, $0x80, v1  }
0x2f: {  	v36 =	vor.u32 $0x3F, v35  }
0x30: {  	v5 =	vmin.u32 v36, $0x80;
	_ =	sdelay $0x4  }
0x31: {  	v5 =	vld.idx.msk [tilespmem:v5+s2+$0x0], $0xffff;
	_ =	sdelay $0x3  }
0x32: {  	v37 =	vor.u32 $0x40, v35  }
0x33: {  	vm14 =	vlt.u32 v37, $0x82;
	vm1 =	vlt.s32 v5, v34  }
0x34: {  	vm0 =	vmand vm1, vm14  }
0x35: {  	v4 =	vsel vm0, v37, v35  }
0x36: {  	v38 =	vor.u32 $0x1F, v4  }
0x37: {  	v5 =	vmin.u32 v38, $0x80;
	_ =	sdelay $0x4  }
0x38: {  	v5 =	vld.idx.msk [tilespmem:v5+s2+$0x0], $0xffff;
	_ =	sdelay $0x3  }
0x39: {  	v6 =	vor.u32 $0x20, v4  }
0x3a: {  	vm15 =	vlt.u32 v6, $0x82;
	vm4 =	vlt.s32 v5, v34  }
0x3b: {  	vm0 =	vmand vm4, vm15  }
0x3c: {  	v4 =	vsel vm0, v6, v4  }
0x3d: {  	v39 =	vor.u32 $0xF, v4  }
0x3e: {  	v5 =	vmin.u32 v39, $0x80;
	_ =	sdelay $0x4  }
0x3f: {  	v5 =	vld.idx.msk [tilespmem:v5+s2+$0x0], $0xffff;
	_ =	sdelay $0x3  }
0x40: {  	v6 =	vor.u32 $0x10, v4  }
0x41: {  	vm5 =	vlt.u32 v6, $0x82;
	vm6 =	vlt.s32 v5, v34  }
0x42: {  	vm0 =	vmand vm6, vm5  }
0x43: {  	v4 =	vsel vm0, v6, v4  }
0x44: {  	v40 =	vmin.u32 v4, $0x79  }
0x45: {  	v5 =	vadd.s32 $0x7, v40;
	_ =	sdelay $0x4  }
0x46: {  	v5 =	vld.idx.msk [tilespmem:v5+s2+$0x0], $0xffff;
	_ =	sdelay $0x4  }
0x47: {  	vm0 =	vlt.u32 v4, $0x7A;
	vm7 =	vlt.s32 v5, v34  }
0x48: {  	v41 =	vadd.s32 $0x8, v4;
	vm0 =	vmand vm7, vm0  }
0x49: {  	v4 =	vsel vm0, v41, v4  }
0x4a: {  	v5 =	vmin.u32 v4, $0x7D  }
0x4b: {  	v5 =	vadd.s32 $0x3, v5;
	_ =	sdelay $0x4  }
0x4c: {  	v5 =	vld.idx.msk [tilespmem:v5+s2+$0x0], $0xffff;
	_ =	sdelay $0x4  }
0x4d: {  	vm0 =	vlt.u32 v4, $0x7E;
	vm8 =	vlt.s32 v5, v34  }
0x4e: {  	v42 =	vadd.s32 $0x4, v4;
	vm0 =	vmand vm8, vm0  }
0x4f: {  	v4 =	vsel vm0, v42, v4  }
0x50: {  	v5 =	vmin.u32 v4, $0x7F  }
0x51: {  	v5 =	vadd.s32 $0x1, v5;
	_ =	sdelay $0x4  }
0x52: {  	v5 =	vld.idx.msk [tilespmem:v5+s2+$0x0], $0xffff;
	_ =	sdelay $0x4  }
0x53: {  	vm0 =	vlt.u32 v4, $0x80;
	vm9 =	vlt.s32 v5, v34  }
0x54: {  	v43 =	vadd.s32 $0x2, v4;
	vm0 =	vmand vm9, vm0  }
0x55: {  	v4 =	vsel vm0, v43, v4  }
0x56: {  	v5 =	vmin.u32 v4, $0x80;
	_ =	sdelay $0x4  }
0x57: {  	v5 =	vld.idx.msk [tilespmem:v5+s2+$0x0], $0xffff;
	_ =	sdelay $0x4  }
0x58: {  	vm0 =	vlt.u32 v4, $0x81;
	vm10 =	vlt.s32 v5, v34  }
0x59: {  	vm0 =	vmand vm10, vm0  }
0x5a: {  	v44 =	vsel vm0, $0x1, v1  }
0x5b: {  	v3 =	vadd.s32 v44, v4  }
0x5c: {  	v3 =	vmin.u32 v3, $0x80;
	_ =	sdelay $0x4  }
0x5d: {  	v3 =	vld.idx.msk [tilespmem:v3+s28+$0x0], $0xffff;
	_ =	sdelay $0x4  }
0x5e: {  	v3 =	vadd.s32 v0, v3  }
0x5f: {  	[tilespmem:$0x200] =	vst v3  }
0x60: {  	v3 =	vld.idx.msk [tilespmem:v2+s2+$0x0], $0xffff;
	_ =	sdelay $0x3  }
0x61: {  	v45 =	vadd.s32 $0x11, v0  }
0x62: {  	vm11 =	vlt.s32 v3, v45  }
0x63: {  	v3 =	vsel vm11, $0x80, v1  }
0x64: {  	v46 =	vor.u32 $0x3F, v3  }
0x65: {  	v5 =	vmin.u32 v46, $0x80;
	_ =	sdelay $0x4  }
0x66: {  	v5 =	vld.idx.msk [tilespmem:v5+s2+$0x0], $0xffff;
	_ =	sdelay $0x3  }
0x67: {  	v47 =	vor.u32 $0x40, v3  }
0x68: {  	vm12 =	vlt.u32 v47, $0x82;
	vm13 =	vlt.s32 v5, v45  }
0x69: {  	vm0 =	vmand vm13, vm12  }
0x6a: {  	v3 =	vsel vm0, v47, v3  }
0x6b: {  	v48 =	vor.u32 $0x1F, v3  }
0x6c: {  	v5 =	vmin.u32 v48, $0x80;
	_ =	sdelay $0x4  }
0x6d: {  	v5 =	vld.idx.msk [tilespmem:v5+s2+$0x0], $0xffff;
	_ =	sdelay $0x3  }
0x6e: {  	v6 =	vor.u32 $0x20, v3  }
0x6f: {  	vm14 =	vlt.u32 v6, $0x82;
	vm15 =	vlt.s32 v5, v45  }
0x70: {  	vm0 =	vmand vm15, vm14  }
0x71: {  	v3 =	vsel vm0, v6, v3  }
0x72: {  	v49 =	vor.u32 $0xF, v3  }
0x73: {  	v5 =	vmin.u32 v49, $0x80;
	_ =	sdelay $0x4  }
0x74: {  	v5 =	vld.idx.msk [tilespmem:v5+s2+$0x0], $0xffff;
	_ =	sdelay $0x3  }
0x75: {  	v6 =	vor.u32 $0x10, v3  }
0x76: {  	vm4 =	vlt.u32 v6, $0x82;
	vm5 =	vlt.s32 v5, v45  }
0x77: {  	vm0 =	vmand vm5, vm4  }
0x78: {  	v3 =	vsel vm0, v6, v3  }
0x79: {  	v50 =	vmin.u32 v3, $0x79  }
0x7a: {  	v5 =	vadd.s32 $0x7, v50;
	_ =	sdelay $0x4  }
0x7b: {  	v5 =	vld.idx.msk [tilespmem:v5+s2+$0x0], $0xffff;
	_ =	sdelay $0x4  }
0x7c: {  	vm0 =	vlt.u32 v3, $0x7A;
	vm6 =	vlt.s32 v5, v45  }
0x7d: {  	v51 =	vadd.s32 $0x8, v3;
	vm0 =	vmand vm6, vm0  }
0x7e: {  	v3 =	vsel vm0, v51, v3  }
0x7f: {  	v5 =	vmin.u32 v3, $0x7D  }
0x80: {  	v5 =	vadd.s32 $0x3, v5;
	_ =	sdelay $0x4  }
0x81: {  	v5 =	vld.idx.msk [tilespmem:v5+s2+$0x0], $0xffff;
	_ =	sdelay $0x4  }
0x82: {  	vm0 =	vlt.u32 v3, $0x7E;
	vm7 =	vlt.s32 v5, v45  }
0x83: {  	v52 =	vadd.s32 $0x4, v3;
	vm0 =	vmand vm7, vm0  }
0x84: {  	v3 =	vsel vm0, v52, v3  }
0x85: {  	v5 =	vmin.u32 v3, $0x7F  }
0x86: {  	v5 =	vadd.s32 $0x1, v5;
	_ =	sdelay $0x4  }
0x87: {  	v5 =	vld.idx.msk [tilespmem:v5+s2+$0x0], $0xffff;
	_ =	sdelay $0x4  }
0x88: {  	vm0 =	vlt.u32 v3, $0x80;
	vm8 =	vlt.s32 v5, v45  }
0x89: {  	v53 =	vadd.s32 $0x2, v3;
	vm0 =	vmand vm8, vm0  }
0x8a: {  	v3 =	vsel vm0, v53, v3  }
0x8b: {  	v5 =	vmin.u32 v3, $0x80;
	_ =	sdelay $0x4  }
0x8c: {  	v5 =	vld.idx.msk [tilespmem:v5+s2+$0x0], $0xffff;
	_ =	sdelay $0x4  }
0x8d: {  	vm0 =	vlt.u32 v3, $0x81;
	vm9 =	vlt.s32 v5, v45  }
0x8e: {  	vm0 =	vmand vm9, vm0  }
0x8f: {  	v54 =	vsel vm0, $0x1, v1  }
0x90: {  	v3 =	vadd.s32 v54, v3  }
0x91: {  	v3 =	vmin.u32 v3, $0x80;
	_ =	sdelay $0x4  }
0x92: {  	v3 =	vld.idx.msk [tilespmem:v3+s28+$0x0], $0xffff;
	_ =	sdelay $0x3  }
0x93: {  	v55 =	vor.u32 $0x10, v0  }
0x94: {  	v3 =	vadd.s32 v55, v3  }
0x95: {  	[tilespmem:$0x210] =	vst v3  }
0x96: {  	v3 =	vld.idx.msk [tilespmem:v2+s2+$0x0], $0xffff;
	_ =	sdelay $0x3  }
0x97: {  	v56 =	vadd.s32 $0x21, v0  }
0x98: {  	vm10 =	vlt.s32 v3, v56  }
0x99: {  	v3 =	vsel vm10, $0x80, v1  }
0x9a: {  	v57 =	vor.u32 $0x3F, v3  }
0x9b: {  	v5 =	vmin.u32 v57, $0x80;
	_ =	sdelay $0x4  }
0x9c: {  	v5 =	vld.idx.msk [tilespmem:v5+s2+$0x0], $0xffff;
	_ =	sdelay $0x3  }
0x9d: {  	v58 =	vor.u32 $0x40, v3  }
0x9e: {  	vm11 =	vlt.u32 v58, $0x82;
	vm12 =	vlt.s32 v5, v56  }
0x9f: {  	vm0 =	vmand vm12, vm11  }
0xa0: {  	v3 =	vsel vm0, v58, v3  }
0xa1: {  	v59 =	vor.u32 $0x1F, v3  }
0xa2: {  	v5 =	vmin.u32 v59, $0x80;
	_ =	sdelay $0x4  }
0xa3: {  	v5 =	vld.idx.msk [tilespmem:v5+s2+$0x0], $0xffff;
	_ =	sdelay $0x3  }
0xa4: {  	v6 =	vor.u32 $0x20, v3  }
0xa5: {  	vm13 =	vlt.u32 v6, $0x82;
	vm14 =	vlt.s32 v5, v56  }
0xa6: {  	vm0 =	vmand vm14, vm13  }
0xa7: {  	v3 =	vsel vm0, v6, v3  }
0xa8: {  	v60 =	vor.u32 $0xF, v3  }
0xa9: {  	v5 =	vmin.u32 v60, $0x80;
	_ =	sdelay $0x4  }
0xaa: {  	v5 =	vld.idx.msk [tilespmem:v5+s2+$0x0], $0xffff;
	_ =	sdelay $0x3  }
0xab: {  	v6 =	vor.u32 $0x10, v3  }
0xac: {  	vm15 =	vlt.u32 v6, $0x82;
	vm4 =	vlt.s32 v5, v56  }
0xad: {  	vm0 =	vmand vm4, vm15  }
0xae: {  	v3 =	vsel vm0, v6, v3  }
0xaf: {  	v61 =	vmin.u32 v3, $0x79  }
0xb0: {  	v5 =	vadd.s32 $0x7, v61;
	_ =	sdelay $0x4  }
0xb1: {  	v5 =	vld.idx.msk [tilespmem:v5+s2+$0x0], $0xffff;
	_ =	sdelay $0x4  }
0xb2: {  	vm0 =	vlt.u32 v3, $0x7A;
	vm5 =	vlt.s32 v5, v56  }
0xb3: {  	v62 =	vadd.s32 $0x8, v3;
	vm0 =	vmand vm5, vm0  }
0xb4: {  	v3 =	vsel vm0, v62, v3  }
0xb5: {  	v5 =	vmin.u32 v3, $0x7D  }
0xb6: {  	v5 =	vadd.s32 $0x3, v5;
	_ =	sdelay $0x4  }
0xb7: {  	v5 =	vld.idx.msk [tilespmem:v5+s2+$0x0], $0xffff;
	_ =	sdelay $0x4  }
0xb8: {  	vm0 =	vlt.u32 v3, $0x7E;
	vm6 =	vlt.s32 v5, v56  }
0xb9: {  	v63 =	vadd.s32 $0x4, v3;
	vm0 =	vmand vm6, vm0  }
0xba: {  	v3 =	vsel vm0, v63, v3  }
0xbb: {  	v5 =	vmin.u32 v3, $0x7F  }
0xbc: {  	v5 =	vadd.s32 $0x1, v5;
	_ =	sdelay $0x4  }
0xbd: {  	v5 =	vld.idx.msk [tilespmem:v5+s2+$0x0], $0xffff;
	_ =	sdelay $0x4  }
0xbe: {  	vm0 =	vlt.u32 v3, $0x80;
	vm7 =	vlt.s32 v5, v56  }
0xbf: {  	v8 =	vadd.s32 $0x2, v3;
	vm0 =	vmand vm7, vm0  }
0xc0: {  	v3 =	vsel vm0, v8, v3  }
0xc1: {  	v5 =	vmin.u32 v3, $0x80;
	_ =	sdelay $0x4  }
0xc2: {  	v5 =	vld.idx.msk [tilespmem:v5+s2+$0x0], $0xffff;
	_ =	sdelay $0x4  }
0xc3: {  	vm0 =	vlt.u32 v3, $0x81;
	vm8 =	vlt.s32 v5, v56  }
0xc4: {  	vm0 =	vmand vm8, vm0  }
0xc5: {  	v9 =	vsel vm0, $0x1, v1  }
0xc6: {  	v3 =	vadd.s32 v9, v3  }
0xc7: {  	v3 =	vmin.u32 v3, $0x80;
	_ =	sdelay $0x4  }
0xc8: {  	v3 =	vld.idx.msk [tilespmem:v3+s28+$0x0], $0xffff;
	_ =	sdelay $0x3  }
0xc9: {  	v10 =	vor.u32 $0x20, v0  }
0xca: {  	v3 =	vadd.s32 v10, v3  }
0xcb: {  	[tilespmem:$0x220] =	vst v3  }
0xcc: {  	v3 =	vld.idx.msk [tilespmem:v2+s2+$0x0], $0xffff;
	_ =	sdelay $0x3  }
0xcd: {  	v11 =	vadd.s32 $0x31, v0  }
0xce: {  	vm9 =	vlt.s32 v3, v11  }
0xcf: {  	v3 =	vsel vm9, $0x80, v1  }
0xd0: {  	v12 =	vor.u32 $0x3F, v3  }
0xd1: {  	v5 =	vmin.u32 v12, $0x80;
	_ =	sdelay $0x4  }
0xd2: {  	v5 =	vld.idx.msk [tilespmem:v5+s2+$0x0], $0xffff;
	_ =	sdelay $0x3  }
0xd3: {  	v13 =	vor.u32 $0x40, v3  }
0xd4: {  	vm10 =	vlt.u32 v13, $0x82;
	vm11 =	vlt.s32 v5, v11  }
0xd5: {  	vm0 =	vmand vm11, vm10  }
0xd6: {  	v3 =	vsel vm0, v13, v3  }
0xd7: {  	v14 =	vor.u32 $0x1F, v3  }
0xd8: {  	v5 =	vmin.u32 v14, $0x80;
	_ =	sdelay $0x4  }
0xd9: {  	v5 =	vld.idx.msk [tilespmem:v5+s2+$0x0], $0xffff;
	_ =	sdelay $0x3  }
0xda: {  	v6 =	vor.u32 $0x20, v3  }
0xdb: {  	vm12 =	vlt.u32 v6, $0x82;
	vm13 =	vlt.s32 v5, v11  }
0xdc: {  	vm0 =	vmand vm13, vm12  }
0xdd: {  	v3 =	vsel vm0, v6, v3  }
0xde: {  	v15 =	vor.u32 $0xF, v3  }
0xdf: {  	v5 =	vmin.u32 v15, $0x80;
	_ =	sdelay $0x4  }
0xe0: {  	v5 =	vld.idx.msk [tilespmem:v5+s2+$0x0], $0xffff;
	_ =	sdelay $0x3  }
0xe1: {  	v6 =	vor.u32 $0x10, v3  }
0xe2: {  	vm14 =	vlt.u32 v6, $0x82;
	vm15 =	vlt.s32 v5, v11  }
0xe3: {  	vm0 =	vmand vm15, vm14  }
0xe4: {  	v3 =	vsel vm0, v6, v3  }
0xe5: {  	v16 =	vmin.u32 v3, $0x79  }
0xe6: {  	v5 =	vadd.s32 $0x7, v16;
	_ =	sdelay $0x4  }
0xe7: {  	v5 =	vld.idx.msk [tilespmem:v5+s2+$0x0], $0xffff;
	_ =	sdelay $0x4  }
0xe8: {  	vm0 =	vlt.u32 v3, $0x7A;
	vm4 =	vlt.s32 v5, v11  }
0xe9: {  	v17 =	vadd.s32 $0x8, v3;
	vm0 =	vmand vm4, vm0  }
0xea: {  	v3 =	vsel vm0, v17, v3  }
0xeb: {  	v5 =	vmin.u32 v3, $0x7D  }
0xec: {  	v5 =	vadd.s32 $0x3, v5;
	_ =	sdelay $0x4  }
0xed: {  	v5 =	vld.idx.msk [tilespmem:v5+s2+$0x0], $0xffff;
	_ =	sdelay $0x4  }
0xee: {  	vm0 =	vlt.u32 v3, $0x7E;
	vm5 =	vlt.s32 v5, v11  }
0xef: {  	v18 =	vadd.s32 $0x4, v3;
	vm0 =	vmand vm5, vm0  }
0xf0: {  	v3 =	vsel vm0, v18, v3  }
0xf1: {  	v5 =	vmin.u32 v3, $0x7F  }
0xf2: {  	v5 =	vadd.s32 $0x1, v5;
	_ =	sdelay $0x4  }
0xf3: {  	v5 =	vld.idx.msk [tilespmem:v5+s2+$0x0], $0xffff;
	_ =	sdelay $0x4  }
0xf4: {  	vm0 =	vlt.u32 v3, $0x80;
	vm6 =	vlt.s32 v5, v11  }
0xf5: {  	v19 =	vadd.s32 $0x2, v3;
	vm0 =	vmand vm6, vm0  }
0xf6: {  	v3 =	vsel vm0, v19, v3  }
0xf7: {  	v5 =	vmin.u32 v3, $0x80;
	_ =	sdelay $0x4  }
0xf8: {  	v5 =	vld.idx.msk [tilespmem:v5+s2+$0x0], $0xffff;
	_ =	sdelay $0x4  }
0xf9: {  	vm0 =	vlt.u32 v3, $0x81;
	vm7 =	vlt.s32 v5, v11  }
0xfa: {  	vm0 =	vmand vm7, vm0  }
0xfb: {  	v20 =	vsel vm0, $0x1, v1  }
0xfc: {  	v3 =	vadd.s32 v20, v3  }
0xfd: {  	v3 =	vmin.u32 v3, $0x80;
	_ =	sdelay $0x4  }
0xfe: {  	v3 =	vld.idx.msk [tilespmem:v3+s28+$0x0], $0xffff;
	_ =	sdelay $0x3  }
0xff: {  	v21 =	vor.u32 $0x30, v0  }
0x100: {  	v3 =	vadd.s32 v21, v3  }
0x101: {  	[tilespmem:$0x230] =	vst v3  }
0x102: {  	v3 =	vld.idx.msk [tilespmem:v2+s2+$0x0], $0xffff;
	_ =	sdelay $0x3  }
0x103: {  	v22 =	vadd.s32 $0x41, v0  }
0x104: {  	vm8 =	vlt.s32 v3, v22  }
0x105: {  	v3 =	vsel vm8, $0x80, v1  }
0x106: {  	v23 =	vor.u32 $0x3F, v3  }
0x107: {  	v5 =	vmin.u32 v23, $0x80;
	_ =	sdelay $0x4  }
0x108: {  	v5 =	vld.idx.msk [tilespmem:v5+s2+$0x0], $0xffff;
	_ =	sdelay $0x3  }
0x109: {  	v24 =	vor.u32 $0x40, v3  }
0x10a: {  	vm9 =	vlt.u32 v24, $0x82;
	vm10 =	vlt.s32 v5, v22  }
0x10b: {  	vm0 =	vmand vm10, vm9  }
0x10c: {  	v3 =	vsel vm0, v24, v3  }
0x10d: {  	v25 =	vor.u32 $0x1F, v3  }
0x10e: {  	v5 =	vmin.u32 v25, $0x80;
	_ =	sdelay $0x4  }
0x10f: {  	v5 =	vld.idx.msk [tilespmem:v5+s2+$0x0], $0xffff;
	_ =	sdelay $0x3  }
0x110: {  	v6 =	vor.u32 $0x20, v3  }
0x111: {  	vm11 =	vlt.u32 v6, $0x82;
	vm12 =	vlt.s32 v5, v22  }
0x112: {  	vm0 =	vmand vm12, vm11  }
0x113: {  	v3 =	vsel vm0, v6, v3  }
0x114: {  	v26 =	vor.u32 $0xF, v3  }
0x115: {  	v5 =	vmin.u32 v26, $0x80;
	_ =	sdelay $0x4  }
0x116: {  	v5 =	vld.idx.msk [tilespmem:v5+s2+$0x0], $0xffff;
	_ =	sdelay $0x3  }
0x117: {  	v6 =	vor.u32 $0x10, v3  }
0x118: {  	vm13 =	vlt.u32 v6, $0x82;
	vm14 =	vlt.s32 v5, v22  }
0x119: {  	vm0 =	vmand vm14, vm13  }
0x11a: {  	v3 =	vsel vm0, v6, v3  }
0x11b: {  	v27 =	vmin.u32 v3, $0x79  }
0x11c: {  	v5 =	vadd.s32 $0x7, v27;
	_ =	sdelay $0x4  }
0x11d: {  	v5 =	vld.idx.msk [tilespmem:v5+s2+$0x0], $0xffff;
	_ =	sdelay $0x4  }
0x11e: {  	vm0 =	vlt.u32 v3, $0x7A;
	vm15 =	vlt.s32 v5, v22  }
0x11f: {  	v28 =	vadd.s32 $0x8, v3;
	vm0 =	vmand vm15, vm0  }
0x120: {  	v3 =	vsel vm0, v28, v3  }
0x121: {  	v5 =	vmin.u32 v3, $0x7D  }
0x122: {  	v5 =	vadd.s32 $0x3, v5;
	_ =	sdelay $0x4  }
0x123: {  	v5 =	vld.idx.msk [tilespmem:v5+s2+$0x0], $0xffff;
	_ =	sdelay $0x4  }
0x124: {  	vm0 =	vlt.u32 v3, $0x7E;
	vm4 =	vlt.s32 v5, v22  }
0x125: {  	v29 =	vadd.s32 $0x4, v3;
	vm0 =	vmand vm4, vm0  }
0x126: {  	v3 =	vsel vm0, v29, v3  }
0x127: {  	v5 =	vmin.u32 v3, $0x7F  }
0x128: {  	v5 =	vadd.s32 $0x1, v5;
	_ =	sdelay $0x4  }
0x129: {  	v5 =	vld.idx.msk [tilespmem:v5+s2+$0x0], $0xffff;
	_ =	sdelay $0x4  }
0x12a: {  	vm0 =	vlt.u32 v3, $0x80;
	vm5 =	vlt.s32 v5, v22  }
0x12b: {  	v30 =	vadd.s32 $0x2, v3;
	vm0 =	vmand vm5, vm0  }
0x12c: {  	v3 =	vsel vm0, v30, v3  }
0x12d: {  	v5 =	vmin.u32 v3, $0x80;
	_ =	sdelay $0x4  }
0x12e: {  	v5 =	vld.idx.msk [tilespmem:v5+s2+$0x0], $0xffff;
	_ =	sdelay $0x4  }
0x12f: {  	vm0 =	vlt.u32 v3, $0x81;
	vm6 =	vlt.s32 v5, v22  }
0x130: {  	vm0 =	vmand vm6, vm0  }
0x131: {  	v31 =	vsel vm0, $0x1, v1  }
0x132: {  	v3 =	vadd.s32 v31, v3  }
0x133: {  	v3 =	vmin.u32 v3, $0x80;
	_ =	sdelay $0x4  }
0x134: {  	v3 =	vld.idx.msk [tilespmem:v3+s28+$0x0], $0xffff;
	_ =	sdelay $0x3  }
0x135: {  	v32 =	vor.u32 $0x40, v0  }
0x136: {  	v3 =	vadd.s32 v32, v3  }
0x137: {  	[tilespmem:$0x240] =	vst v3  }
0x138: {  	v3 =	vld.idx.msk [tilespmem:v2+s2+$0x0], $0xffff;
	_ =	sdelay $0x3  }
0x139: {  	v33 =	vadd.s32 $0x51, v0  }
0x13a: {  	vm7 =	vlt.s32 v3, v33  }
0x13b: {  	v3 =	vsel vm7, $0x80, v1  }
0x13c: {  	v34 =	vor.u32 $0x3F, v3  }
0x13d: {  	v5 =	vmin.u32 v34, $0x80;
	_ =	sdelay $0x4  }
0x13e: {  	v5 =	vld.idx.msk [tilespmem:v5+s2+$0x0], $0xffff;
	_ =	sdelay $0x3  }
0x13f: {  	v35 =	vor.u32 $0x40, v3  }
0x140: {  	vm8 =	vlt.u32 v35, $0x82;
	vm9 =	vlt.s32 v5, v33  }
0x141: {  	vm0 =	vmand vm9, vm8  }
0x142: {  	v3 =	vsel vm0, v35, v3  }
0x143: {  	v36 =	vor.u32 $0x1F, v3  }
0x144: {  	v5 =	vmin.u32 v36, $0x80;
	_ =	sdelay $0x4  }
0x145: {  	v5 =	vld.idx.msk [tilespmem:v5+s2+$0x0], $0xffff;
	_ =	sdelay $0x3  }
0x146: {  	v6 =	vor.u32 $0x20, v3  }
0x147: {  	vm10 =	vlt.u32 v6, $0x82;
	vm11 =	vlt.s32 v5, v33  }
0x148: {  	vm0 =	vmand vm11, vm10  }
0x149: {  	v3 =	vsel vm0, v6, v3  }
0x14a: {  	v37 =	vor.u32 $0xF, v3  }
0x14b: {  	v5 =	vmin.u32 v37, $0x80;
	_ =	sdelay $0x4  }
0x14c: {  	v5 =	vld.idx.msk [tilespmem:v5+s2+$0x0], $0xffff;
	_ =	sdelay $0x3  }
0x14d: {  	v6 =	vor.u32 $0x10, v3  }
0x14e: {  	vm12 =	vlt.u32 v6, $0x82;
	vm13 =	vlt.s32 v5, v33  }
0x14f: {  	vm0 =	vmand vm13, vm12  }
0x150: {  	v3 =	vsel vm0, v6, v3  }
0x151: {  	v38 =	vmin.u32 v3, $0x79  }
0x152: {  	v5 =	vadd.s32 $0x7, v38;
	_ =	sdelay $0x4  }
0x153: {  	v5 =	vld.idx.msk [tilespmem:v5+s2+$0x0], $0xffff;
	_ =	sdelay $0x4  }
0x154: {  	vm0 =	vlt.u32 v3, $0x7A;
	vm14 =	vlt.s32 v5, v33  }
0x155: {  	v39 =	vadd.s32 $0x8, v3;
	vm0 =	vmand vm14, vm0  }
0x156: {  	v3 =	vsel vm0, v39, v3  }
0x157: {  	v5 =	vmin.u32 v3, $0x7D  }
0x158: {  	v5 =	vadd.s32 $0x3, v5;
	_ =	sdelay $0x4  }
0x159: {  	v5 =	vld.idx.msk [tilespmem:v5+s2+$0x0], $0xffff;
	_ =	sdelay $0x4  }
0x15a: {  	vm0 =	vlt.u32 v3, $0x7E;
	vm15 =	vlt.s32 v5, v33  }
0x15b: {  	v40 =	vadd.s32 $0x4, v3;
	vm0 =	vmand vm15, vm0  }
0x15c: {  	v3 =	vsel vm0, v40, v3  }
0x15d: {  	v5 =	vmin.u32 v3, $0x7F  }
0x15e: {  	v5 =	vadd.s32 $0x1, v5;
	_ =	sdelay $0x4  }
0x15f: {  	v5 =	vld.idx.msk [tilespmem:v5+s2+$0x0], $0xffff;
	_ =	sdelay $0x4  }
0x160: {  	vm0 =	vlt.u32 v3, $0x80;
	vm4 =	vlt.s32 v5, v33  }
0x161: {  	v41 =	vadd.s32 $0x2, v3;
	vm0 =	vmand vm4, vm0  }
0x162: {  	v3 =	vsel vm0, v41, v3  }
0x163: {  	v5 =	vmin.u32 v3, $0x80;
	_ =	sdelay $0x4  }
0x164: {  	v5 =	vld.idx.msk [tilespmem:v5+s2+$0x0], $0xffff;
	_ =	sdelay $0x4  }
0x165: {  	vm0 =	vlt.u32 v3, $0x81;
	vm5 =	vlt.s32 v5, v33  }
0x166: {  	vm0 =	vmand vm5, vm0  }
0x167: {  	v42 =	vsel vm0, $0x1, v1  }
0x168: {  	v3 =	vadd.s32 v42, v3  }
0x169: {  	v3 =	vmin.u32 v3, $0x80;
	_ =	sdelay $0x4  }
0x16a: {  	v3 =	vld.idx.msk [tilespmem:v3+s28+$0x0], $0xffff;
	_ =	sdelay $0x3  }
0x16b: {  	v43 =	vor.u32 $0x50, v0  }
0x16c: {  	v3 =	vadd.s32 v43, v3  }
0x16d: {  	[tilespmem:$0x250] =	vst v3  }
0x16e: {  	v3 =	vld.idx.msk [tilespmem:v2+s2+$0x0], $0xffff;
	_ =	sdelay $0x3  }
0x16f: {  	v44 =	vadd.s32 $0x61, v0  }
0x170: {  	vm6 =	vlt.s32 v3, v44  }
0x171: {  	v3 =	vsel vm6, $0x80, v1  }
0x172: {  	v45 =	vor.u32 $0x3F, v3  }
0x173: {  	v5 =	vmin.u32 v45, $0x80;
	_ =	sdelay $0x4  }
0x174: {  	v5 =	vld.idx.msk [tilespmem:v5+s2+$0x0], $0xffff;
	_ =	sdelay $0x3  }
0x175: {  	v46 =	vor.u32 $0x40, v3  }
0x176: {  	vm7 =	vlt.u32 v46, $0x82;
	vm8 =	vlt.s32 v5, v44  }
0x177: {  	vm0 =	vmand vm8, vm7  }
0x178: {  	v3 =	vsel vm0, v46, v3  }
0x179: {  	v47 =	vor.u32 $0x1F, v3  }
0x17a: {  	v5 =	vmin.u32 v47, $0x80;
	_ =	sdelay $0x4  }
0x17b: {  	v5 =	vld.idx.msk [tilespmem:v5+s2+$0x0], $0xffff;
	_ =	sdelay $0x3  }
0x17c: {  	v6 =	vor.u32 $0x20, v3  }
0x17d: {  	vm9 =	vlt.u32 v6, $0x82;
	vm10 =	vlt.s32 v5, v44  }
0x17e: {  	vm0 =	vmand vm10, vm9  }
0x17f: {  	v3 =	vsel vm0, v6, v3  }
0x180: {  	v48 =	vor.u32 $0xF, v3  }
0x181: {  	v5 =	vmin.u32 v48, $0x80;
	_ =	sdelay $0x4  }
0x182: {  	v5 =	vld.idx.msk [tilespmem:v5+s2+$0x0], $0xffff;
	_ =	sdelay $0x3  }
0x183: {  	v6 =	vor.u32 $0x10, v3  }
0x184: {  	vm11 =	vlt.u32 v6, $0x82;
	vm12 =	vlt.s32 v5, v44  }
0x185: {  	vm0 =	vmand vm12, vm11  }
0x186: {  	v3 =	vsel vm0, v6, v3  }
0x187: {  	v49 =	vmin.u32 v3, $0x79  }
0x188: {  	v5 =	vadd.s32 $0x7, v49;
	_ =	sdelay $0x4  }
0x189: {  	v5 =	vld.idx.msk [tilespmem:v5+s2+$0x0], $0xffff;
	_ =	sdelay $0x4  }
0x18a: {  	vm0 =	vlt.u32 v3, $0x7A;
	vm13 =	vlt.s32 v5, v44  }
0x18b: {  	v50 =	vadd.s32 $0x8, v3;
	vm0 =	vmand vm13, vm0  }
0x18c: {  	v3 =	vsel vm0, v50, v3  }
0x18d: {  	v5 =	vmin.u32 v3, $0x7D  }
0x18e: {  	v5 =	vadd.s32 $0x3, v5;
	_ =	sdelay $0x4  }
0x18f: {  	v5 =	vld.idx.msk [tilespmem:v5+s2+$0x0], $0xffff;
	_ =	sdelay $0x4  }
0x190: {  	vm0 =	vlt.u32 v3, $0x7E;
	vm14 =	vlt.s32 v5, v44  }
0x191: {  	v51 =	vadd.s32 $0x4, v3;
	vm0 =	vmand vm14, vm0  }
0x192: {  	v3 =	vsel vm0, v51, v3  }
0x193: {  	v5 =	vmin.u32 v3, $0x7F  }
0x194: {  	v5 =	vadd.s32 $0x1, v5;
	_ =	sdelay $0x4  }
0x195: {  	v5 =	vld.idx.msk [tilespmem:v5+s2+$0x0], $0xffff;
	_ =	sdelay $0x4  }
0x196: {  	vm0 =	vlt.u32 v3, $0x80;
	vm15 =	vlt.s32 v5, v44  }
0x197: {  	v52 =	vadd.s32 $0x2, v3;
	vm0 =	vmand vm15, vm0  }
0x198: {  	v3 =	vsel vm0, v52, v3  }
0x199: {  	v5 =	vmin.u32 v3, $0x80;
	_ =	sdelay $0x4  }
0x19a: {  	v5 =	vld.idx.msk [tilespmem:v5+s2+$0x0], $0xffff;
	_ =	sdelay $0x4  }
0x19b: {  	vm0 =	vlt.u32 v3, $0x81;
	vm4 =	vlt.s32 v5, v44  }
0x19c: {  	vm0 =	vmand vm4, vm0  }
0x19d: {  	v53 =	vsel vm0, $0x1, v1  }
0x19e: {  	v3 =	vadd.s32 v53, v3  }
0x19f: {  	v3 =	vmin.u32 v3, $0x80;
	_ =	sdelay $0x4  }
0x1a0: {  	v3 =	vld.idx.msk [tilespmem:v3+s28+$0x0], $0xffff;
	_ =	sdelay $0x3  }
0x1a1: {  	v54 =	vor.u32 $0x60, v0  }
0x1a2: {  	v3 =	vadd.s32 v54, v3  }
0x1a3: {  	[tilespmem:$0x260] =	vst v3  }
0x1a4: {  	v2 =	vld.idx.msk [tilespmem:v2+s2+$0x0], $0xffff;
	_ =	sdelay $0x3  }
0x1a5: {  	v55 =	vadd.s32 $0x71, v0  }
0x1a6: {  	vm5 =	vlt.s32 v2, v55  }
0x1a7: {  	v2 =	vsel vm5, $0x80, v1  }
0x1a8: {  	v56 =	vor.u32 $0x3F, v2  }
0x1a9: {  	v4 =	vmin.u32 v56, $0x80;
	_ =	sdelay $0x4  }
0x1aa: {  	v4 =	vld.idx.msk [tilespmem:v4+s2+$0x0], $0xffff;
	_ =	sdelay $0x3  }
0x1ab: {  	v57 =	vor.u32 $0x40, v2  }
0x1ac: {  	vm6 =	vlt.u32 v57, $0x82;
	vm7 =	vlt.s32 v4, v55  }
0x1ad: {  	vm0 =	vmand vm7, vm6  }
0x1ae: {  	v2 =	vsel vm0, v57, v2  }
0x1af: {  	v58 =	vor.u32 $0x1F, v2  }
0x1b0: {  	v4 =	vmin.u32 v58, $0x80;
	_ =	sdelay $0x4  }
0x1b1: {  	v4 =	vld.idx.msk [tilespmem:v4+s2+$0x0], $0xffff;
	_ =	sdelay $0x3  }
0x1b2: {  	v5 =	vor.u32 $0x20, v2  }
0x1b3: {  	vm8 =	vlt.u32 v5, $0x82;
	vm9 =	vlt.s32 v4, v55  }
0x1b4: {  	vm0 =	vmand vm9, vm8  }
0x1b5: {  	v2 =	vsel vm0, v5, v2  }
0x1b6: {  	v59 =	vor.u32 $0xF, v2  }
0x1b7: {  	v4 =	vmin.u32 v59, $0x80;
	_ =	sdelay $0x4  }
0x1b8: {  	v4 =	vld.idx.msk [tilespmem:v4+s2+$0x0], $0xffff;
	_ =	sdelay $0x3  }
0x1b9: {  	v5 =	vor.u32 $0x10, v2  }
0x1ba: {  	vm10 =	vlt.u32 v5, $0x82;
	vm11 =	vlt.s32 v4, v55  }
0x1bb: {  	vm0 =	vmand vm11, vm10  }
0x1bc: {  	v2 =	vsel vm0, v5, v2  }
0x1bd: {  	v60 =	vmin.u32 v2, $0x79  }
0x1be: {  	v4 =	vadd.s32 $0x7, v60;
	_ =	sdelay $0x4  }
0x1bf: {  	v4 =	vld.idx.msk [tilespmem:v4+s2+$0x0], $0xffff;
	_ =	sdelay $0x4  }
0x1c0: {  	vm0 =	vlt.u32 v2, $0x7A;
	vm12 =	vlt.s32 v4, v55  }
0x1c1: {  	v61 =	vadd.s32 $0x8, v2;
	vm0 =	vmand vm12, vm0  }
0x1c2: {  	v2 =	vsel vm0, v61, v2  }
0x1c3: {  	v4 =	vmin.u32 v2, $0x7D  }
0x1c4: {  	v4 =	vadd.s32 $0x3, v4;
	_ =	sdelay $0x4  }
0x1c5: {  	v4 =	vld.idx.msk [tilespmem:v4+s2+$0x0], $0xffff;
	_ =	sdelay $0x4  }
0x1c6: {  	vm0 =	vlt.u32 v2, $0x7E;
	vm13 =	vlt.s32 v4, v55  }
0x1c7: {  	v62 =	vadd.s32 $0x4, v2;
	vm0 =	vmand vm13, vm0  }
0x1c8: {  	v2 =	vsel vm0, v62, v2  }
0x1c9: {  	v4 =	vmin.u32 v2, $0x7F  }
0x1ca: {  	v4 =	vadd.s32 $0x1, v4;
	_ =	sdelay $0x4  }
0x1cb: {  	v4 =	vld.idx.msk [tilespmem:v4+s2+$0x0], $0xffff;
	_ =	sdelay $0x4  }
0x1cc: {  	vm0 =	vlt.u32 v2, $0x80;
	vm14 =	vlt.s32 v4, v55  }
0x1cd: {  	v63 =	vadd.s32 $0x2, v2;
	vm0 =	vmand vm14, vm0  }
0x1ce: {  	v2 =	vsel vm0, v63, v2  }
0x1cf: {  	v4 =	vmin.u32 v2, $0x80;
	_ =	sdelay $0x4  }
0x1d0: {  	v4 =	vld.idx.msk [tilespmem:v4+s2+$0x0], $0xffff;
	_ =	sdelay $0x4  }
0x1d1: {  	vm0 =	vlt.u32 v2, $0x81;
	vm15 =	vlt.s32 v4, v55  }
0x1d2: {  	vm0 =	vmand vm15, vm0  }
0x1d3: {  	v1 =	vsel vm0, $0x1, v1  }
0x1d4: {  	v1 =	vadd.s32 v1, v2  }
0x1d5: {  	v1 =	vmin.u32 v1, $0x80;
	_ =	sdelay $0x4  }
0x1d6: {  	v1 =	vld.idx.msk [tilespmem:v1+s28+$0x0], $0xffff;
	_ =	sdelay $0x3  }
0x1d7: {  	v0 =	vor.u32 $0x70, v0  }
0x1d8: {  	v0 =	vadd.s32 v0, v1  }
0x1d9: {  	s30 =	simm.s32 $0x200;
	s31 =	simm.s32 $0x2;
	[tilespmem:$0x270] =	vst v0  }
0x1da: {  	[hbm4b:s1+s2] =	stream.linear.scatter [tilespmem:s30], [sflag:$0x2], $0x80, $0x38;
	[tilespmem:$0x280] =	vst v63  }
0x1db: {  	_ =	swait.ge [sflag:s31], $0x80  }
0x1dc: {  	[sflag:s31] =	ssyncset.done $0x0  }
0x1dd: {  	[sflag:s31] =	ssyncadd.s32 $0xFFFFFF80  }
.LBB2_2:
0x1de: {  	_ =	sfence.sel $0x180000  }
0x1df: {  	[bflag:$0x0] =	sbarrier.arrive $0xFFFF  }
0x1e0: {  	_ =	strace $0x90000047  }
0x1e1: {  	s0 =	sadd.s32 @!p0 $0x100000, s0;
	[bflag:$0x2] =	sbarrier.arrive $0xFFFF  }
0x1e2: {  	[sflag:s0] =	ssyncadd.tile.s32 @!p0 $0x1;
	_ =	shalt  }
.Lfunc_end2:
_tile_overlayer_lowered:
.L_overlay_start_2:
0x1e3: {  	(tag) =	ssettag $0x2  }
0x1e4: {  	s0 =	rddreg [dreg:$0x0];
	s2 =	stileid.u32  }
0x1e5: {  	s1 =	rddreg [dreg:$0x1];
	p0 =	sne.s32 s2, $0x0  }
0x1e6: {  	s3 =	rddreg [dreg:$0x2];
	[bflag:$0x3] =	sbarrier.arrive $0xFFFF;
	s2 =	simm.s32 @!p0 $0x1C02  }
0x1e7: {  	[timem:s3], [sflag:s2] =	dma.local @!p0 [hbm:s0], s1  }
0x1e8: {  	s0 =	simm.s32 @!p0 $0x2  }
0x1e9: {  	_ =	swait.ge @!p0 [sflag:s0], s1  }
0x1ea: {  	s1 =	ssub.s32 @!p0 $0x0, s1;
	[sflag:s0] =	ssyncset.done @!p0 $0x0  }
0x1eb: {  	[sflag:s0] =	ssyncadd.s32 @!p0 s1  }
0x1ec: {  	[bflag:$0x3] =	sbarrier.arrive $0xFFFF  }
0x1ed: {  	_ =	shalt  }

</sc_bundles>
